<compile_context>
chip_gen: v7x
topology: tpu7x:2x2x1
jax: 0.10.2.dev20260603
libtpu: 0.0.44.dev20260713+nightly
codegen_flags: <defaults>
</compile_context>

<pallas_src>
import jax
import jax.numpy as jnp
from jax import lax
from jax.experimental import pallas as pl
from jax.experimental.pallas import tpu as pltpu
from jax.experimental.pallas import tpu_sc as plsc

N = 10000
D = 128
G = 64
NC = 2
NS = 16
NW = NC * NS
NP = 10112
RPS = NP // NS
CHUNK = 128



_MESH = plsc.VectorSubcoreMesh(core_axis_name="c", subcore_axis_name="s")


def _sc_deg_body(dst_hbm, zeros_hbm, ones_hbm, out_hbm, dst_v, ones_v, acc_sh):
    c = lax.axis_index("c")
    s = lax.axis_index("s")
    w = c * NS + s
    cpt = dst_hbm.shape[1]
    pltpu.sync_copy(dst_hbm.at[w], dst_v)
    pltpu.sync_copy(ones_hbm, ones_v)
    pltpu.sync_copy(zeros_hbm.at[pl.ds(s * RPS, RPS)], acc_sh.at[pl.ds(s * RPS, RPS)])
    plsc.subcore_barrier()

    def body(j, carry):
        pltpu.sync_copy(ones_v, acc_sh.at[dst_v.at[j]], add=True)
        return carry

    lax.fori_loop(0, cpt, body, 0)
    plsc.subcore_barrier()
    pltpu.sync_copy(acc_sh.at[pl.ds(s * RPS, RPS)], out_hbm.at[c, pl.ds(s * RPS, RPS)])


def _sc_deg(dst_tiles, zerosD, onesD):
    cpt = dst_tiles.shape[1]
    return pl.kernel(
        _sc_deg_body,
        out_type=jax.ShapeDtypeStruct((NC, NP, D), jnp.float32),
        mesh=_MESH,
        scratch_types=[
            pltpu.VMEM((cpt, CHUNK), jnp.int32),
            pltpu.VMEM((CHUNK, D), jnp.float32),
            pltpu.VMEM_SHARED((NP, D), jnp.float32),
        ],
    )(dst_tiles, zerosD, onesD)


def _sc_agg_body(g_hbm, src_hbm, dst_hbm, zeros_hbm, out_hbm,
                 src_v, dst_v, buf0, acc_sh, sem0):
    c = lax.axis_index("c")
    s = lax.axis_index("s")
    w = c * NS + s
    cpt = src_hbm.shape[1]
    pltpu.sync_copy(src_hbm.at[w], src_v)
    pltpu.sync_copy(dst_hbm.at[w], dst_v)
    pltpu.sync_copy(zeros_hbm.at[pl.ds(s * RPS, RPS)], acc_sh.at[pl.ds(s * RPS, RPS)])
    plsc.subcore_barrier()

    def body(j, carry):
        pltpu.async_copy(g_hbm.at[src_v.at[j]], buf0, sem0).wait()
        pltpu.sync_copy(buf0, acc_sh.at[dst_v.at[j]], add=True)
        return carry

    lax.fori_loop(0, cpt, body, 0)
    plsc.subcore_barrier()
    pltpu.sync_copy(acc_sh.at[pl.ds(s * RPS, RPS)], out_hbm.at[c, pl.ds(s * RPS, RPS)])


def _sc_agg(g, src_tiles, dst_tiles, zerosD):
    cpt = src_tiles.shape[1]
    return pl.kernel(
        _sc_agg_body,
        out_type=jax.ShapeDtypeStruct((NC, NP, D), jnp.float32),
        mesh=_MESH,
        scratch_types=[
            pltpu.VMEM((cpt, CHUNK), jnp.int32),
            pltpu.VMEM((cpt, CHUNK), jnp.int32),
            pltpu.VMEM((CHUNK, D), jnp.float32),
            pltpu.VMEM_SHARED((NP, D), jnp.float32),
            pltpu.SemaphoreType.DMA,
        ],
    )(g, src_tiles, dst_tiles, zerosD)



def _tc_pre_body(degp_ref, x_ref, w_ref, g_ref, dinv_ref):
    d16 = degp_ref[0][:, 0:16] + degp_ref[1][:, 0:16] + 1.0
    dinv16 = lax.rsqrt(d16)
    dinv_ref[...] = dinv16
    h = jnp.dot(x_ref[...], w_ref[...], preferred_element_type=jnp.float32)
    g_ref[...] = h * dinv16[:, 0:1]


def _tc_pre(degp, xp, W):
    return pl.pallas_call(
        _tc_pre_body,
        out_shape=(
            jax.ShapeDtypeStruct((NP, D), jnp.float32),
            jax.ShapeDtypeStruct((NP, 16), jnp.float32),
        ),
    )(degp, xp, W)


def _postagg(acc_ref, g_ref, dinv_ref, b_ref, gamma_ref, beta_ref):
    dinv = dinv_ref[...][:, 0:1]
    o = (acc_ref[0] + acc_ref[1] + g_ref[...]) * dinv + b_ref[...]
    rid = lax.broadcasted_iota(jnp.int32, (NP, 1), 0)
    valid = (rid < N).astype(jnp.float32)
    mu = jnp.sum(o * valid, axis=0, keepdims=True) * (1.0 / N)
    ex2 = jnp.sum(o * o * valid, axis=0, keepdims=True) * (1.0 / N)
    var = ex2 - mu * mu
    xn = (o - mu) * lax.rsqrt(var + 1e-5) * gamma_ref[...] + beta_ref[...]
    e = jnp.where(xn > 0, xn, jnp.exp(xn) - 1.0)
    return e * valid, dinv


def _tc_mid_body(acc_ref, g_ref, dinv_ref, b_ref, gamma_ref, beta_ref, wn_ref, gn_ref):
    e, dinv = _postagg(acc_ref, g_ref, dinv_ref, b_ref, gamma_ref, beta_ref)
    gn_ref[...] = jnp.dot(e, wn_ref[...], preferred_element_type=jnp.float32) * dinv


def _tc_mid(acc, g, dinv, b, gamma, beta, Wn):
    return pl.pallas_call(
        _tc_mid_body,
        out_shape=jax.ShapeDtypeStruct((NP, D), jnp.float32),
    )(acc, g, dinv, b, gamma, beta, Wn)


def _tc_post_body(acc_ref, g_ref, dinv_ref, b_ref, gamma_ref, beta_ref, bi_ref, out_ref):
    e, _ = _postagg(acc_ref, g_ref, dinv_ref, b_ref, gamma_ref, beta_ref)
    bi = bi_ref[...]
    onehot = (bi == lax.broadcasted_iota(jnp.int32, (NP, G), 1)).astype(jnp.float32)
    sums = lax.dot_general(onehot, e, (((0,), (0,)), ((), ())),
                           preferred_element_type=jnp.float32)
    ones_col = jnp.ones((NP, 1), jnp.float32)
    cnt = lax.dot_general(onehot, ones_col, (((0,), (0,)), ((), ())),
                          preferred_element_type=jnp.float32)
    out_ref[...] = sums / jnp.maximum(cnt, 1.0)


def _tc_post(acc, g, dinv, b, gamma, beta, bi):
    return pl.pallas_call(
        _tc_post_body,
        out_shape=jax.ShapeDtypeStruct((G, D), jnp.float32),
    )(acc, g, dinv, b, gamma, beta, bi)



def kernel(x, edge_index, batch_idx,
           W0, b0, gamma0, beta0, W1, b1, gamma1, beta1, W2, b2, gamma2, beta2):
    E = edge_index.shape[1]
    cpt = -(-E // (NW * CHUNK))
    cpt += (-cpt) % 4
    ep = NW * cpt * CHUNK
    src = edge_index[0].astype(jnp.int32)
    dst = edge_index[1].astype(jnp.int32)
    padi = jnp.full((ep - E,), N, jnp.int32)
    src_t = jnp.concatenate([src, padi]).reshape(NW, cpt, CHUNK)
    dst_t = jnp.concatenate([dst, padi]).reshape(NW, cpt, CHUNK)
    xp = jnp.zeros((NP, D), jnp.float32).at[:N].set(x)
    bi = jnp.concatenate([batch_idx.astype(jnp.int32),
                          jnp.full((NP - N,), G, jnp.int32)]).reshape(NP, 1)
    onesD = jnp.ones((CHUNK, D), jnp.float32)
    zerosD = jnp.zeros((NP, D), jnp.float32)

    degp = _sc_deg(dst_t, zerosD, onesD)
    g, dinv = _tc_pre(degp, xp, W0)

    acc = _sc_agg(g, src_t, dst_t, zerosD)
    g = _tc_mid(acc, g, dinv, b0.reshape(1, D), gamma0.reshape(1, D),
                beta0.reshape(1, D), W1)
    acc = _sc_agg(g, src_t, dst_t, zerosD)
    g = _tc_mid(acc, g, dinv, b1.reshape(1, D), gamma1.reshape(1, D),
                beta1.reshape(1, D), W2)
    acc = _sc_agg(g, src_t, dst_t, zerosD)
    return _tc_post(acc, g, dinv, b2.reshape(1, D), gamma2.reshape(1, D),
                    beta2.reshape(1, D), bi)

# --- scband reference (transcript-rebuilt; emitter-appended) ---
"""Pipeline reference for scband-gcn-38130719654055 (READ-ONLY COPY).

The authoritative reference and input builder live on the scoring server;
editing this copy changes nothing except your own understanding.
"""

import jax, jax.numpy as jnp
import numpy as np

N = 10000
E = 320000
D = 128
H = 128
G = 64


def setup_inputs(seed: int = 0) -> dict:
    key = jax.random.key(seed)
    ks = jax.random.split(key, 16)
    inp = {}
    inp["x"] = jax.random.normal(ks[0], (N, D), jnp.float32)
    inp["edge_index"] = jax.random.randint(ks[1], (2, E), 0, N)
    inp["batch_idx"] = jnp.sort(jax.random.randint(ks[2], (N,), 0, G))
    for i in range(3):
        fan_in = D if i == 0 else H
        inp[f"W{i}"] = jax.random.normal(ks[3 + 4 * i], (fan_in, H), jnp.float32) * (1.0 / np.sqrt(fan_in))
        inp[f"b{i}"] = jnp.zeros((H,), jnp.float32)
        inp[f"gamma{i}"] = jnp.ones((H,), jnp.float32)
        inp[f"beta{i}"] = jnp.zeros((H,), jnp.float32)
    return inp


def _gcn_conv(x, src, dst, W, b):
    n = x.shape[0]
    h = x @ W
    loop = jnp.arange(n)
    src_sl = jnp.concatenate([src, loop])
    dst_sl = jnp.concatenate([dst, loop])
    deg = jnp.zeros((n,), h.dtype).at[dst_sl].add(1.0)
    dinv = jnp.where(deg > 0, jax.lax.rsqrt(jnp.maximum(deg, 1e-12)), 0.0)
    norm = dinv[src_sl] * dinv[dst_sl]
    msg = h[src_sl] * norm[:, None]
    out = jnp.zeros_like(h).at[dst_sl].add(msg)
    return out + b


def _bn(x, gamma, beta, eps=1e-5):
    mu = x.mean(axis=0)
    var = x.var(axis=0)
    return (x - mu) * jax.lax.rsqrt(var + eps) * gamma + beta


def reference(x, edge_index, batch_idx, W0, b0, gamma0, beta0, W1, b1, gamma1, beta1, W2, b2, gamma2, beta2):
    src, dst = edge_index[0], edge_index[1]
    params = [(W0, b0, gamma0, beta0), (W1, b1, gamma1, beta1), (W2, b2, gamma2, beta2)]
    h = x
    for (W, b, g, be) in params:
        h = _gcn_conv(h, src, dst, W, b)
        h = _bn(h, g, be)
        h = jax.nn.elu(h)
    sums = jnp.zeros((G, h.shape[1]), h.dtype).at[batch_idx].add(h)
    cnt = jnp.zeros((G,), h.dtype).at[batch_idx].add(1.0)
    return sums / jnp.maximum(cnt, 1.0)[:, None]

if __name__ == "__main__":
    import jax
    _d = setup_inputs()
    print(jax.jit(kernel)(*tuple(_d.values())))

</pallas_src>

<mosaic_0001>
#map = affine_map<(d0, d1) -> (0, 0)>
#map1 = affine_map<(d0, d1) -> (0, 0, 0)>
module attributes {stable_mosaic.version = 14 : i64} {
  func.func @_sc_agg_body(%arg0: i32, %arg1: i32, %arg2: memref<10112x128xf32, #tpu.memory_space<hbm>>, %arg3: memref<32x80x128xi32, #tpu.memory_space<hbm>>, %arg4: memref<32x80x128xi32, #tpu.memory_space<hbm>>, %arg5: memref<10112x128xf32, #tpu.memory_space<hbm>>, %arg6: memref<2x10112x128xf32, #tpu.memory_space<hbm>>, %arg7: memref<80x128xi32, #tpu.memory_space<vmem>>, %arg8: memref<80x128xi32, #tpu.memory_space<vmem>>, %arg9: memref<128x128xf32, #tpu.memory_space<vmem>>, %arg10: memref<10112x128xf32, #tpu.memory_space<vmem_shared>>, %arg11: memref<!tpu.dma_semaphore, #tpu.memory_space<semaphore_mem>>) attributes {dimension_semantics = [#tpu.dimension_semantics<core_parallel>, #tpu.dimension_semantics<subcore_parallel>], iteration_bounds = array<i64: 2, 16>, scalar_prefetch = 0 : i64, scratch_operands = 5 : i64, tpu.core_type = #tpu.core_type<sc_vector_subcore>, window_params = [{transform_indices = #map}, {transform_indices = #map1}, {transform_indices = #map1}, {transform_indices = #map}, {transform_indices = #map1}]} {
    %mul3A = arith.constant 16 : i32
    %mul3A_0 = arith.muli %arg0, %mul3A : i32
    %add3A = arith.addi %mul3A_0, %arg1 : i32
    "tpu.region"() ({
      %run_scoped3A = tpu.sem_alloc : memref<!tpu.dma_semaphore, #tpu.memory_space<semaphore_mem>>
      %dma_start3A = arith.constant 0 : i32
      %dma_start3A_15 = arith.constant 0 : i32
      %dma_start3A_16 = tpu.memref_slice %arg3[%add3A, %dma_start3A, %dma_start3A_15] : memref<32x80x128xi32, #tpu.memory_space<hbm>> -> memref<1x80x128xi32, #tpu.memory_space<hbm>>
      %dma_start3A_17 = tpu.memref_squeeze %dma_start3A_16 : memref<1x80x128xi32, #tpu.memory_space<hbm>> -> memref<80x128xi32, #tpu.memory_space<hbm>>
      %dma_start3A_18 = arith.constant 0 : i32
      %dma_start3A_19 = arith.constant 0 : i32
      %dma_start3A_20 = tpu.memref_slice %arg3[%add3A, %dma_start3A_18, %dma_start3A_19] : memref<32x80x128xi32, #tpu.memory_space<hbm>> -> memref<1x80x128xi32, #tpu.memory_space<hbm>>
      %dma_start3A_21 = tpu.memref_squeeze %dma_start3A_20 : memref<1x80x128xi32, #tpu.memory_space<hbm>> -> memref<80x128xi32, #tpu.memory_space<hbm>>
      tpu.enqueue_dma source(%dma_start3A_21 : memref<80x128xi32, #tpu.memory_space<hbm>>) target(%arg7 : memref<80x128xi32, #tpu.memory_space<vmem>>) target_semaphore(%run_scoped3A : memref<!tpu.dma_semaphore, #tpu.memory_space<semaphore_mem>>)
      %dma_wait3A = arith.constant 0 : i32
      %dma_wait3A_22 = arith.constant 0 : i32
      %dma_wait3A_23 = tpu.memref_slice %arg3[%add3A, %dma_wait3A, %dma_wait3A_22] : memref<32x80x128xi32, #tpu.memory_space<hbm>> -> memref<1x80x128xi32, #tpu.memory_space<hbm>>
      %dma_wait3A_24 = tpu.memref_squeeze %dma_wait3A_23 : memref<1x80x128xi32, #tpu.memory_space<hbm>> -> memref<80x128xi32, #tpu.memory_space<hbm>>
      %dma_wait3A_25 = arith.constant 0 : i32
      %dma_wait3A_26 = arith.constant 0 : i32
      %dma_wait3A_27 = tpu.memref_slice %arg3[%add3A, %dma_wait3A_25, %dma_wait3A_26] : memref<32x80x128xi32, #tpu.memory_space<hbm>> -> memref<1x80x128xi32, #tpu.memory_space<hbm>>
      %dma_wait3A_28 = tpu.memref_squeeze %dma_wait3A_27 : memref<1x80x128xi32, #tpu.memory_space<hbm>> -> memref<80x128xi32, #tpu.memory_space<hbm>>
      tpu.wait_dma2 semaphore(%run_scoped3A : memref<!tpu.dma_semaphore, #tpu.memory_space<semaphore_mem>>) src(%dma_wait3A_28 : memref<80x128xi32, #tpu.memory_space<hbm>>) dst(%arg7 : memref<80x128xi32, #tpu.memory_space<vmem>>)
      tpu.yield
    }) : () -> ()
    "tpu.region"() ({
      %run_scoped3A = tpu.sem_alloc : memref<!tpu.dma_semaphore, #tpu.memory_space<semaphore_mem>>
      %dma_start3A = arith.constant 0 : i32
      %dma_start3A_15 = arith.constant 0 : i32
      %dma_start3A_16 = tpu.memref_slice %arg4[%add3A, %dma_start3A, %dma_start3A_15] : memref<32x80x128xi32, #tpu.memory_space<hbm>> -> memref<1x80x128xi32, #tpu.memory_space<hbm>>
      %dma_start3A_17 = tpu.memref_squeeze %dma_start3A_16 : memref<1x80x128xi32, #tpu.memory_space<hbm>> -> memref<80x128xi32, #tpu.memory_space<hbm>>
      %dma_start3A_18 = arith.constant 0 : i32
      %dma_start3A_19 = arith.constant 0 : i32
      %dma_start3A_20 = tpu.memref_slice %arg4[%add3A, %dma_start3A_18, %dma_start3A_19] : memref<32x80x128xi32, #tpu.memory_space<hbm>> -> memref<1x80x128xi32, #tpu.memory_space<hbm>>
      %dma_start3A_21 = tpu.memref_squeeze %dma_start3A_20 : memref<1x80x128xi32, #tpu.memory_space<hbm>> -> memref<80x128xi32, #tpu.memory_space<hbm>>
      tpu.enqueue_dma source(%dma_start3A_21 : memref<80x128xi32, #tpu.memory_space<hbm>>) target(%arg8 : memref<80x128xi32, #tpu.memory_space<vmem>>) target_semaphore(%run_scoped3A : memref<!tpu.dma_semaphore, #tpu.memory_space<semaphore_mem>>)
      %dma_wait3A = arith.constant 0 : i32
      %dma_wait3A_22 = arith.constant 0 : i32
      %dma_wait3A_23 = tpu.memref_slice %arg4[%add3A, %dma_wait3A, %dma_wait3A_22] : memref<32x80x128xi32, #tpu.memory_space<hbm>> -> memref<1x80x128xi32, #tpu.memory_space<hbm>>
      %dma_wait3A_24 = tpu.memref_squeeze %dma_wait3A_23 : memref<1x80x128xi32, #tpu.memory_space<hbm>> -> memref<80x128xi32, #tpu.memory_space<hbm>>
      %dma_wait3A_25 = arith.constant 0 : i32
      %dma_wait3A_26 = arith.constant 0 : i32
      %dma_wait3A_27 = tpu.memref_slice %arg4[%add3A, %dma_wait3A_25, %dma_wait3A_26] : memref<32x80x128xi32, #tpu.memory_space<hbm>> -> memref<1x80x128xi32, #tpu.memory_space<hbm>>
      %dma_wait3A_28 = tpu.memref_squeeze %dma_wait3A_27 : memref<1x80x128xi32, #tpu.memory_space<hbm>> -> memref<80x128xi32, #tpu.memory_space<hbm>>
      tpu.wait_dma2 semaphore(%run_scoped3A : memref<!tpu.dma_semaphore, #tpu.memory_space<semaphore_mem>>) src(%dma_wait3A_28 : memref<80x128xi32, #tpu.memory_space<hbm>>) dst(%arg8 : memref<80x128xi32, #tpu.memory_space<vmem>>)
      tpu.yield
    }) : () -> ()
    %mul3A_1 = arith.constant 632 : i32
    %mul3A_2 = arith.muli %arg1, %mul3A_1 : i32
    %mul3A_3 = arith.constant 632 : i32
    %mul3A_4 = arith.muli %arg1, %mul3A_3 : i32
    "tpu.region"() ({
      %run_scoped3A = tpu.sem_alloc : memref<!tpu.dma_semaphore, #tpu.memory_space<semaphore_mem>>
      %dma_start3A = arith.constant 0 : i32
      %dma_start3A_15 = tpu.memref_slice %arg10[%mul3A_4, %dma_start3A] : memref<10112x128xf32, #tpu.memory_space<vmem_shared>> -> memref<632x128xf32, #tpu.memory_space<vmem_shared>>
      %dma_start3A_16 = arith.constant 0 : i32
      %dma_start3A_17 = tpu.memref_slice %arg5[%mul3A_2, %dma_start3A_16] : memref<10112x128xf32, #tpu.memory_space<hbm>> -> memref<632x128xf32, #tpu.memory_space<hbm>>
      tpu.enqueue_dma source(%dma_start3A_17 : memref<632x128xf32, #tpu.memory_space<hbm>>) target(%dma_start3A_15 : memref<632x128xf32, #tpu.memory_space<vmem_shared>>) target_semaphore(%run_scoped3A : memref<!tpu.dma_semaphore, #tpu.memory_space<semaphore_mem>>)
      %dma_wait3A = arith.constant 0 : i32
      %dma_wait3A_18 = tpu.memref_slice %arg10[%mul3A_4, %dma_wait3A] : memref<10112x128xf32, #tpu.memory_space<vmem_shared>> -> memref<632x128xf32, #tpu.memory_space<vmem_shared>>
      %dma_wait3A_19 = arith.constant 0 : i32
      %dma_wait3A_20 = tpu.memref_slice %arg5[%mul3A_2, %dma_wait3A_19] : memref<10112x128xf32, #tpu.memory_space<hbm>> -> memref<632x128xf32, #tpu.memory_space<hbm>>
      tpu.wait_dma2 semaphore(%run_scoped3A : memref<!tpu.dma_semaphore, #tpu.memory_space<semaphore_mem>>) src(%dma_wait3A_20 : memref<632x128xf32, #tpu.memory_space<hbm>>) dst(%dma_wait3A_18 : memref<632x128xf32, #tpu.memory_space<vmem_shared>>)
      tpu.yield
    }) : () -> ()
    %barrier3A = arith.constant 0 : index
    tpu.barrier barrier_id(%barrier3A)
    %scan3A = arith.constant 0 : i32
    %scan3A_5 = arith.constant 0 : i32
    %scan3A_6 = arith.constant 80 : i32
    %scan3A_7 = arith.addi %scan3A_5, %scan3A_6 : i32
    %scan3A_8 = arith.constant 1 : i32
    scf.for %scan3A_15 = %scan3A_5 to %scan3A_7 step %scan3A_8  : i32 {
      %dma_start3A = arith.constant 0 : i32
      %dma_start3A_16 = tpu.memref_slice %arg7[%scan3A_15, %dma_start3A] : memref<80x128xi32, #tpu.memory_space<vmem>> -> memref<1x128xi32, #tpu.memory_space<vmem>>
      %dma_start3A_17 = tpu.memref_squeeze %dma_start3A_16 : memref<1x128xi32, #tpu.memory_space<vmem>> -> memref<128xi32, #tpu.memory_space<vmem>>
      %dma_start3A_18 = arith.constant 0 : i32
      %dma_start3A_19 = arith.constant 0 : i32
      %dma_start3A_20 = tpu.memref_slice %arg2[%dma_start3A_18, %dma_start3A_19] : memref<10112x128xf32, #tpu.memory_space<hbm>> -> memref<10112x128xf32, #tpu.memory_space<hbm>>
      tpu.enqueue_indirect_dma source(%dma_start3A_20 : memref<10112x128xf32, #tpu.memory_space<hbm>>) target(%arg9 : memref<128x128xf32, #tpu.memory_space<vmem>>) offsets(%dma_start3A_17 : memref<128xi32, #tpu.memory_space<vmem>>) semaphore(%arg11 : memref<!tpu.dma_semaphore, #tpu.memory_space<semaphore_mem>>)
      %dma_wait3A = arith.constant 0 : i32
      %dma_wait3A_21 = tpu.memref_slice %arg7[%scan3A_15, %dma_wait3A] : memref<80x128xi32, #tpu.memory_space<vmem>> -> memref<1x128xi32, #tpu.memory_space<vmem>>
      %dma_wait3A_22 = tpu.memref_squeeze %dma_wait3A_21 : memref<1x128xi32, #tpu.memory_space<vmem>> -> memref<128xi32, #tpu.memory_space<vmem>>
      %dma_wait3A_23 = arith.constant 0 : i32
      %dma_wait3A_24 = arith.constant 0 : i32
      %dma_wait3A_25 = tpu.memref_slice %arg2[%dma_wait3A_23, %dma_wait3A_24] : memref<10112x128xf32, #tpu.memory_space<hbm>> -> memref<10112x128xf32, #tpu.memory_space<hbm>>
      tpu.wait_indirect_dma semaphore(%arg11 : memref<!tpu.dma_semaphore, #tpu.memory_space<semaphore_mem>>) src(%dma_wait3A_25 : memref<10112x128xf32, #tpu.memory_space<hbm>>) dst(%arg9 : memref<128x128xf32, #tpu.memory_space<vmem>>)
      "tpu.region"() ({
        %run_scoped3A = tpu.sem_alloc : memref<!tpu.dma_semaphore, #tpu.memory_space<semaphore_mem>>
        %dma_start3A_26 = arith.constant 0 : i32
        %dma_start3A_27 = tpu.memref_slice %arg8[%scan3A_15, %dma_start3A_26] : memref<80x128xi32, #tpu.memory_space<vmem>> -> memref<1x128xi32, #tpu.memory_space<vmem>>
        %dma_start3A_28 = tpu.memref_squeeze %dma_start3A_27 : memref<1x128xi32, #tpu.memory_space<vmem>> -> memref<128xi32, #tpu.memory_space<vmem>>
        %dma_start3A_29 = arith.constant 0 : i32
        %dma_start3A_30 = arith.constant 0 : i32
        %dma_start3A_31 = tpu.memref_slice %arg10[%dma_start3A_29, %dma_start3A_30] : memref<10112x128xf32, #tpu.memory_space<vmem_shared>> -> memref<10112x128xf32, #tpu.memory_space<vmem_shared>>
        tpu.enqueue_indirect_dma source(%arg9 : memref<128x128xf32, #tpu.memory_space<vmem>>) target(%dma_start3A_31 : memref<10112x128xf32, #tpu.memory_space<vmem_shared>>) offsets(%dma_start3A_28 : memref<128xi32, #tpu.memory_space<vmem>>) semaphore(%run_scoped3A : memref<!tpu.dma_semaphore, #tpu.memory_space<semaphore_mem>>) {add = true}
        %dma_wait3A_32 = arith.constant 0 : i32
        %dma_wait3A_33 = tpu.memref_slice %arg8[%scan3A_15, %dma_wait3A_32] : memref<80x128xi32, #tpu.memory_space<vmem>> -> memref<1x128xi32, #tpu.memory_space<vmem>>
        %dma_wait3A_34 = tpu.memref_squeeze %dma_wait3A_33 : memref<1x128xi32, #tpu.memory_space<vmem>> -> memref<128xi32, #tpu.memory_space<vmem>>
        %dma_wait3A_35 = arith.constant 0 : i32
        %dma_wait3A_36 = arith.constant 0 : i32
        %dma_wait3A_37 = tpu.memref_slice %arg10[%dma_wait3A_35, %dma_wait3A_36] : memref<10112x128xf32, #tpu.memory_space<vmem_shared>> -> memref<10112x128xf32, #tpu.memory_space<vmem_shared>>
        tpu.wait_indirect_dma semaphore(%run_scoped3A : memref<!tpu.dma_semaphore, #tpu.memory_space<semaphore_mem>>) src(%arg9 : memref<128x128xf32, #tpu.memory_space<vmem>>) dst(%dma_wait3A_37 : memref<10112x128xf32, #tpu.memory_space<vmem_shared>>)
        tpu.yield
      }) : () -> ()
    }
    %scan3A_9 = arith.constant 80 : i32
    %barrier3A_10 = arith.constant 0 : index
    tpu.barrier barrier_id(%barrier3A_10)
    %mul3A_11 = arith.constant 632 : i32
    %mul3A_12 = arith.muli %arg1, %mul3A_11 : i32
    %mul3A_13 = arith.constant 632 : i32
    %mul3A_14 = arith.muli %arg1, %mul3A_13 : i32
    "tpu.region"() ({
      %run_scoped3A = tpu.sem_alloc : memref<!tpu.dma_semaphore, #tpu.memory_space<semaphore_mem>>
      %dma_start3A = arith.constant 0 : i32
      %dma_start3A_15 = tpu.memref_slice %arg6[%arg0, %mul3A_14, %dma_start3A] : memref<2x10112x128xf32, #tpu.memory_space<hbm>> -> memref<1x632x128xf32, #tpu.memory_space<hbm>>
      %dma_start3A_16 = tpu.memref_squeeze %dma_start3A_15 : memref<1x632x128xf32, #tpu.memory_space<hbm>> -> memref<632x128xf32, #tpu.memory_space<hbm>>
      %dma_start3A_17 = arith.constant 0 : i32
      %dma_start3A_18 = tpu.memref_slice %arg10[%mul3A_12, %dma_start3A_17] : memref<10112x128xf32, #tpu.memory_space<vmem_shared>> -> memref<632x128xf32, #tpu.memory_space<vmem_shared>>
      tpu.enqueue_dma source(%dma_start3A_18 : memref<632x128xf32, #tpu.memory_space<vmem_shared>>) target(%dma_start3A_16 : memref<632x128xf32, #tpu.memory_space<hbm>>) target_semaphore(%run_scoped3A : memref<!tpu.dma_semaphore, #tpu.memory_space<semaphore_mem>>)
      %dma_wait3A = arith.constant 0 : i32
      %dma_wait3A_19 = tpu.memref_slice %arg6[%arg0, %mul3A_14, %dma_wait3A] : memref<2x10112x128xf32, #tpu.memory_space<hbm>> -> memref<1x632x128xf32, #tpu.memory_space<hbm>>
      %dma_wait3A_20 = tpu.memref_squeeze %dma_wait3A_19 : memref<1x632x128xf32, #tpu.memory_space<hbm>> -> memref<632x128xf32, #tpu.memory_space<hbm>>
      %dma_wait3A_21 = arith.constant 0 : i32
      %dma_wait3A_22 = tpu.memref_slice %arg10[%mul3A_12, %dma_wait3A_21] : memref<10112x128xf32, #tpu.memory_space<vmem_shared>> -> memref<632x128xf32, #tpu.memory_space<vmem_shared>>
      tpu.wait_dma2 semaphore(%run_scoped3A : memref<!tpu.dma_semaphore, #tpu.memory_space<semaphore_mem>>) src(%dma_wait3A_22 : memref<632x128xf32, #tpu.memory_space<vmem_shared>>) dst(%dma_wait3A_20 : memref<632x128xf32, #tpu.memory_space<hbm>>)
      tpu.yield
    }) : () -> ()
    return
  }
}

#map = affine_map<(d0, d1) -> (0, 0)>
#map1 = affine_map<(d0, d1) -> (0, 0, 0)>
module attributes {stable_mosaic.version = 14 : i64} {
  func.func @_sc_agg_body(%arg0: i32, %arg1: i32, %arg2: memref<10112x128xf32, #tpu.memory_space<hbm>>, %arg3: memref<32x80x128xi32, #tpu.memory_space<hbm>>, %arg4: memref<32x80x128xi32, #tpu.memory_space<hbm>>, %arg5: memref<10112x128xf32, #tpu.memory_space<hbm>>, %arg6: memref<2x10112x128xf32, #tpu.memory_space<hbm>>, %arg7: memref<80x128xi32, #tpu.memory_space<vmem>>, %arg8: memref<80x128xi32, #tpu.memory_space<vmem>>, %arg9: memref<128x128xf32, #tpu.memory_space<vmem>>, %arg10: memref<10112x128xf32, #tpu.memory_space<vmem_shared>>, %arg11: memref<!tpu.dma_semaphore, #tpu.memory_space<semaphore_mem>>) attributes {dimension_semantics = [#tpu.dimension_semantics<core_parallel>, #tpu.dimension_semantics<subcore_parallel>], iteration_bounds = array<i64: 2, 16>, scalar_prefetch = 0 : i64, scratch_operands = 5 : i64, tpu.core_type = #tpu.core_type<sc_vector_subcore>, window_params = [{transform_indices = #map}, {transform_indices = #map1}, {transform_indices = #map1}, {transform_indices = #map}, {transform_indices = #map1}]} {
    %mul3A = arith.constant 16 : i32
    %mul3A_0 = arith.muli %arg0, %mul3A : i32
    %add3A = arith.addi %mul3A_0, %arg1 : i32
    "tpu.region"() ({
      %run_scoped3A = tpu.sem_alloc : memref<!tpu.dma_semaphore, #tpu.memory_space<semaphore_mem>>
      %dma_start3A = arith.constant 0 : i32
      %dma_start3A_15 = arith.constant 0 : i32
      %dma_start3A_16 = tpu.memref_slice %arg3[%add3A, %dma_start3A, %dma_start3A_15] : memref<32x80x128xi32, #tpu.memory_space<hbm>> -> memref<1x80x128xi32, #tpu.memory_space<hbm>>
      %dma_start3A_17 = tpu.memref_squeeze %dma_start3A_16 : memref<1x80x128xi32, #tpu.memory_space<hbm>> -> memref<80x128xi32, #tpu.memory_space<hbm>>
      %dma_start3A_18 = arith.constant 0 : i32
      %dma_start3A_19 = arith.constant 0 : i32
      %dma_start3A_20 = tpu.memref_slice %arg3[%add3A, %dma_start3A_18, %dma_start3A_19] : memref<32x80x128xi32, #tpu.memory_space<hbm>> -> memref<1x80x128xi32, #tpu.memory_space<hbm>>
      %dma_start3A_21 = tpu.memref_squeeze %dma_start3A_20 : memref<1x80x128xi32, #tpu.memory_space<hbm>> -> memref<80x128xi32, #tpu.memory_space<hbm>>
      tpu.enqueue_dma source(%dma_start3A_21 : memref<80x128xi32, #tpu.memory_space<hbm>>) target(%arg7 : memref<80x128xi32, #tpu.memory_space<vmem>>) target_semaphore(%run_scoped3A : memref<!tpu.dma_semaphore, #tpu.memory_space<semaphore_mem>>)
      %dma_wait3A = arith.constant 0 : i32
      %dma_wait3A_22 = arith.constant 0 : i32
      %dma_wait3A_23 = tpu.memref_slice %arg3[%add3A, %dma_wait3A, %dma_wait3A_22] : memref<32x80x128xi32, #tpu.memory_space<hbm>> -> memref<1x80x128xi32, #tpu.memory_space<hbm>>
      %dma_wait3A_24 = tpu.memref_squeeze %dma_wait3A_23 : memref<1x80x128xi32, #tpu.memory_space<hbm>> -> memref<80x128xi32, #tpu.memory_space<hbm>>
      %dma_wait3A_25 = arith.constant 0 : i32
      %dma_wait3A_26 = arith.constant 0 : i32
      %dma_wait3A_27 = tpu.memref_slice %arg3[%add3A, %dma_wait3A_25, %dma_wait3A_26] : memref<32x80x128xi32, #tpu.memory_space<hbm>> -> memref<1x80x128xi32, #tpu.memory_space<hbm>>
      %dma_wait3A_28 = tpu.memref_squeeze %dma_wait3A_27 : memref<1x80x128xi32, #tpu.memory_space<hbm>> -> memref<80x128xi32, #tpu.memory_space<hbm>>
      tpu.wait_dma2 semaphore(%run_scoped3A : memref<!tpu.dma_semaphore, #tpu.memory_space<semaphore_mem>>) src(%dma_wait3A_28 : memref<80x128xi32, #tpu.memory_space<hbm>>) dst(%arg7 : memref<80x128xi32, #tpu.memory_space<vmem>>)
      tpu.yield
    }) : () -> ()
    "tpu.region"() ({
      %run_scoped3A = tpu.sem_alloc : memref<!tpu.dma_semaphore, #tpu.memory_space<semaphore_mem>>
      %dma_start3A = arith.constant 0 : i32
      %dma_start3A_15 = arith.constant 0 : i32
      %dma_start3A_16 = tpu.memref_slice %arg4[%add3A, %dma_start3A, %dma_start3A_15] : memref<32x80x128xi32, #tpu.memory_space<hbm>> -> memref<1x80x128xi32, #tpu.memory_space<hbm>>
      %dma_start3A_17 = tpu.memref_squeeze %dma_start3A_16 : memref<1x80x128xi32, #tpu.memory_space<hbm>> -> memref<80x128xi32, #tpu.memory_space<hbm>>
      %dma_start3A_18 = arith.constant 0 : i32
      %dma_start3A_19 = arith.constant 0 : i32
      %dma_start3A_20 = tpu.memref_slice %arg4[%add3A, %dma_start3A_18, %dma_start3A_19] : memref<32x80x128xi32, #tpu.memory_space<hbm>> -> memref<1x80x128xi32, #tpu.memory_space<hbm>>
      %dma_start3A_21 = tpu.memref_squeeze %dma_start3A_20 : memref<1x80x128xi32, #tpu.memory_space<hbm>> -> memref<80x128xi32, #tpu.memory_space<hbm>>
      tpu.enqueue_dma source(%dma_start3A_21 : memref<80x128xi32, #tpu.memory_space<hbm>>) target(%arg8 : memref<80x128xi32, #tpu.memory_space<vmem>>) target_semaphore(%run_scoped3A : memref<!tpu.dma_semaphore, #tpu.memory_space<semaphore_mem>>)
      %dma_wait3A = arith.constant 0 : i32
      %dma_wait3A_22 = arith.constant 0 : i32
      %dma_wait3A_23 = tpu.memref_slice %arg4[%add3A, %dma_wait3A, %dma_wait3A_22] : memref<32x80x128xi32, #tpu.memory_space<hbm>> -> memref<1x80x128xi32, #tpu.memory_space<hbm>>
      %dma_wait3A_24 = tpu.memref_squeeze %dma_wait3A_23 : memref<1x80x128xi32, #tpu.memory_space<hbm>> -> memref<80x128xi32, #tpu.memory_space<hbm>>
      %dma_wait3A_25 = arith.constant 0 : i32
      %dma_wait3A_26 = arith.constant 0 : i32
      %dma_wait3A_27 = tpu.memref_slice %arg4[%add3A, %dma_wait3A_25, %dma_wait3A_26] : memref<32x80x128xi32, #tpu.memory_space<hbm>> -> memref<1x80x128xi32, #tpu.memory_space<hbm>>
      %dma_wait3A_28 = tpu.memref_squeeze %dma_wait3A_27 : memref<1x80x128xi32, #tpu.memory_space<hbm>> -> memref<80x128xi32, #tpu.memory_space<hbm>>
      tpu.wait_dma2 semaphore(%run_scoped3A : memref<!tpu.dma_semaphore, #tpu.memory_space<semaphore_mem>>) src(%dma_wait3A_28 : memref<80x128xi32, #tpu.memory_space<hbm>>) dst(%arg8 : memref<80x128xi32, #tpu.memory_space<vmem>>)
      tpu.yield
    }) : () -> ()
    %mul3A_1 = arith.constant 632 : i32
    %mul3A_2 = arith.muli %arg1, %mul3A_1 : i32
    %mul3A_3 = arith.constant 632 : i32
    %mul3A_4 = arith.muli %arg1, %mul3A_3 : i32
    "tpu.region"() ({
      %run_scoped3A = tpu.sem_alloc : memref<!tpu.dma_semaphore, #tpu.memory_space<semaphore_mem>>
      %dma_start3A = arith.constant 0 : i32
      %dma_start3A_15 = tpu.memref_slice %arg10[%mul3A_4, %dma_start3A] : memref<10112x128xf32, #tpu.memory_space<vmem_shared>> -> memref<632x128xf32, #tpu.memory_space<vmem_shared>>
      %dma_start3A_16 = arith.constant 0 : i32
      %dma_start3A_17 = tpu.memref_slice %arg5[%mul3A_2, %dma_start3A_16] : memref<10112x128xf32, #tpu.memory_space<hbm>> -> memref<632x128xf32, #tpu.memory_space<hbm>>
      tpu.enqueue_dma source(%dma_start3A_17 : memref<632x128xf32, #tpu.memory_space<hbm>>) target(%dma_start3A_15 : memref<632x128xf32, #tpu.memory_space<vmem_shared>>) target_semaphore(%run_scoped3A : memref<!tpu.dma_semaphore, #tpu.memory_space<semaphore_mem>>)
      %dma_wait3A = arith.constant 0 : i32
      %dma_wait3A_18 = tpu.memref_slice %arg10[%mul3A_4, %dma_wait3A] : memref<10112x128xf32, #tpu.memory_space<vmem_shared>> -> memref<632x128xf32, #tpu.memory_space<vmem_shared>>
      %dma_wait3A_19 = arith.constant 0 : i32
      %dma_wait3A_20 = tpu.memref_slice %arg5[%mul3A_2, %dma_wait3A_19] : memref<10112x128xf32, #tpu.memory_space<hbm>> -> memref<632x128xf32, #tpu.memory_space<hbm>>
      tpu.wait_dma2 semaphore(%run_scoped3A : memref<!tpu.dma_semaphore, #tpu.memory_space<semaphore_mem>>) src(%dma_wait3A_20 : memref<632x128xf32, #tpu.memory_space<hbm>>) dst(%dma_wait3A_18 : memref<632x128xf32, #tpu.memory_space<vmem_shared>>)
      tpu.yield
    }) : () -> ()
    %barrier3A = arith.constant 0 : index
    tpu.barrier barrier_id(%barrier3A)
    %scan3A = arith.constant 0 : i32
    %scan3A_5 = arith.constant 0 : i32
    %scan3A_6 = arith.constant 80 : i32
    %scan3A_7 = arith.addi %scan3A_5, %scan3A_6 : i32
    %scan3A_8 = arith.constant 1 : i32
    scf.for %scan3A_15 = %scan3A_5 to %scan3A_7 step %scan3A_8  : i32 {
      %dma_start3A = arith.constant 0 : i32
      %dma_start3A_16 = tpu.memref_slice %arg7[%scan3A_15, %dma_start3A] : memref<80x128xi32, #tpu.memory_space<vmem>> -> memref<1x128xi32, #tpu.memory_space<vmem>>
      %dma_start3A_17 = tpu.memref_squeeze %dma_start3A_16 : memref<1x128xi32, #tpu.memory_space<vmem>> -> memref<128xi32, #tpu.memory_space<vmem>>
      %dma_start3A_18 = arith.constant 0 : i32
      %dma_start3A_19 = arith.constant 0 : i32
      %dma_start3A_20 = tpu.memref_slice %arg2[%dma_start3A_18, %dma_start3A_19] : memref<10112x128xf32, #tpu.memory_space<hbm>> -> memref<10112x128xf32, #tpu.memory_space<hbm>>
      tpu.enqueue_indirect_dma source(%dma_start3A_20 : memref<10112x128xf32, #tpu.memory_space<hbm>>) target(%arg9 : memref<128x128xf32, #tpu.memory_space<vmem>>) offsets(%dma_start3A_17 : memref<128xi32, #tpu.memory_space<vmem>>) semaphore(%arg11 : memref<!tpu.dma_semaphore, #tpu.memory_space<semaphore_mem>>)
      %dma_wait3A = arith.constant 0 : i32
      %dma_wait3A_21 = tpu.memref_slice %arg7[%scan3A_15, %dma_wait3A] : memref<80x128xi32, #tpu.memory_space<vmem>> -> memref<1x128xi32, #tpu.memory_space<vmem>>
      %dma_wait3A_22 = tpu.memref_squeeze %dma_wait3A_21 : memref<1x128xi32, #tpu.memory_space<vmem>> -> memref<128xi32, #tpu.memory_space<vmem>>
      %dma_wait3A_23 = arith.constant 0 : i32
      %dma_wait3A_24 = arith.constant 0 : i32
      %dma_wait3A_25 = tpu.memref_slice %arg2[%dma_wait3A_23, %dma_wait3A_24] : memref<10112x128xf32, #tpu.memory_space<hbm>> -> memref<10112x128xf32, #tpu.memory_space<hbm>>
      tpu.wait_indirect_dma semaphore(%arg11 : memref<!tpu.dma_semaphore, #tpu.memory_space<semaphore_mem>>) src(%dma_wait3A_25 : memref<10112x128xf32, #tpu.memory_space<hbm>>) dst(%arg9 : memref<128x128xf32, #tpu.memory_space<vmem>>)
      "tpu.region"() ({
        %run_scoped3A = tpu.sem_alloc : memref<!tpu.dma_semaphore, #tpu.memory_space<semaphore_mem>>
        %dma_start3A_26 = arith.constant 0 : i32
        %dma_start3A_27 = tpu.memref_slice %arg8[%scan3A_15, %dma_start3A_26] : memref<80x128xi32, #tpu.memory_space<vmem>> -> memref<1x128xi32, #tpu.memory_space<vmem>>
        %dma_start3A_28 = tpu.memref_squeeze %dma_start3A_27 : memref<1x128xi32, #tpu.memory_space<vmem>> -> memref<128xi32, #tpu.memory_space<vmem>>
        %dma_start3A_29 = arith.constant 0 : i32
        %dma_start3A_30 = arith.constant 0 : i32
        %dma_start3A_31 = tpu.memref_slice %arg10[%dma_start3A_29, %dma_start3A_30] : memref<10112x128xf32, #tpu.memory_space<vmem_shared>> -> memref<10112x128xf32, #tpu.memory_space<vmem_shared>>
        tpu.enqueue_indirect_dma source(%arg9 : memref<128x128xf32, #tpu.memory_space<vmem>>) target(%dma_start3A_31 : memref<10112x128xf32, #tpu.memory_space<vmem_shared>>) offsets(%dma_start3A_28 : memref<128xi32, #tpu.memory_space<vmem>>) semaphore(%run_scoped3A : memref<!tpu.dma_semaphore, #tpu.memory_space<semaphore_mem>>) {add = true}
        %dma_wait3A_32 = arith.constant 0 : i32
        %dma_wait3A_33 = tpu.memref_slice %arg8[%scan3A_15, %dma_wait3A_32] : memref<80x128xi32, #tpu.memory_space<vmem>> -> memref<1x128xi32, #tpu.memory_space<vmem>>
        %dma_wait3A_34 = tpu.memref_squeeze %dma_wait3A_33 : memref<1x128xi32, #tpu.memory_space<vmem>> -> memref<128xi32, #tpu.memory_space<vmem>>
        %dma_wait3A_35 = arith.constant 0 : i32
        %dma_wait3A_36 = arith.constant 0 : i32
        %dma_wait3A_37 = tpu.memref_slice %arg10[%dma_wait3A_35, %dma_wait3A_36] : memref<10112x128xf32, #tpu.memory_space<vmem_shared>> -> memref<10112x128xf32, #tpu.memory_space<vmem_shared>>
        tpu.wait_indirect_dma semaphore(%run_scoped3A : memref<!tpu.dma_semaphore, #tpu.memory_space<semaphore_mem>>) src(%arg9 : memref<128x128xf32, #tpu.memory_space<vmem>>) dst(%dma_wait3A_37 : memref<10112x128xf32, #tpu.memory_space<vmem_shared>>)
        tpu.yield
      }) : () -> ()
    }
    %scan3A_9 = arith.constant 80 : i32
    %barrier3A_10 = arith.constant 0 : index
    tpu.barrier barrier_id(%barrier3A_10)
    %mul3A_11 = arith.constant 632 : i32
    %mul3A_12 = arith.muli %arg1, %mul3A_11 : i32
    %mul3A_13 = arith.constant 632 : i32
    %mul3A_14 = arith.muli %arg1, %mul3A_13 : i32
    "tpu.region"() ({
      %run_scoped3A = tpu.sem_alloc : memref<!tpu.dma_semaphore, #tpu.memory_space<semaphore_mem>>
      %dma_start3A = arith.constant 0 : i32
      %dma_start3A_15 = tpu.memref_slice %arg6[%arg0, %mul3A_14, %dma_start3A] : memref<2x10112x128xf32, #tpu.memory_space<hbm>> -> memref<1x632x128xf32, #tpu.memory_space<hbm>>
      %dma_start3A_16 = tpu.memref_squeeze %dma_start3A_15 : memref<1x632x128xf32, #tpu.memory_space<hbm>> -> memref<632x128xf32, #tpu.memory_space<hbm>>
      %dma_start3A_17 = arith.constant 0 : i32
      %dma_start3A_18 = tpu.memref_slice %arg10[%mul3A_12, %dma_start3A_17] : memref<10112x128xf32, #tpu.memory_space<vmem_shared>> -> memref<632x128xf32, #tpu.memory_space<vmem_shared>>
      tpu.enqueue_dma source(%dma_start3A_18 : memref<632x128xf32, #tpu.memory_space<vmem_shared>>) target(%dma_start3A_16 : memref<632x128xf32, #tpu.memory_space<hbm>>) target_semaphore(%run_scoped3A : memref<!tpu.dma_semaphore, #tpu.memory_space<semaphore_mem>>)
      %dma_wait3A = arith.constant 0 : i32
      %dma_wait3A_19 = tpu.memref_slice %arg6[%arg0, %mul3A_14, %dma_wait3A] : memref<2x10112x128xf32, #tpu.memory_space<hbm>> -> memref<1x632x128xf32, #tpu.memory_space<hbm>>
      %dma_wait3A_20 = tpu.memref_squeeze %dma_wait3A_19 : memref<1x632x128xf32, #tpu.memory_space<hbm>> -> memref<632x128xf32, #tpu.memory_space<hbm>>
      %dma_wait3A_21 = arith.constant 0 : i32
      %dma_wait3A_22 = tpu.memref_slice %arg10[%mul3A_12, %dma_wait3A_21] : memref<10112x128xf32, #tpu.memory_space<vmem_shared>> -> memref<632x128xf32, #tpu.memory_space<vmem_shared>>
      tpu.wait_dma2 semaphore(%run_scoped3A : memref<!tpu.dma_semaphore, #tpu.memory_space<semaphore_mem>>) src(%dma_wait3A_22 : memref<632x128xf32, #tpu.memory_space<vmem_shared>>) dst(%dma_wait3A_20 : memref<632x128xf32, #tpu.memory_space<hbm>>)
      tpu.yield
    }) : () -> ()
    return
  }
}

#map = affine_map<(d0, d1) -> (0, 0, 0)>
#map1 = affine_map<(d0, d1) -> (0, 0)>
module attributes {stable_mosaic.version = 14 : i64} {
  func.func @_sc_deg_body(%arg0: i32, %arg1: i32, %arg2: memref<32x80x128xi32, #tpu.memory_space<hbm>>, %arg3: memref<10112x128xf32, #tpu.memory_space<hbm>>, %arg4: memref<128x128xf32, #tpu.memory_space<hbm>>, %arg5: memref<2x10112x128xf32, #tpu.memory_space<hbm>>, %arg6: memref<80x128xi32, #tpu.memory_space<vmem>>, %arg7: memref<128x128xf32, #tpu.memory_space<vmem>>, %arg8: memref<10112x128xf32, #tpu.memory_space<vmem_shared>>) attributes {dimension_semantics = [#tpu.dimension_semantics<core_parallel>, #tpu.dimension_semantics<subcore_parallel>], iteration_bounds = array<i64: 2, 16>, scalar_prefetch = 0 : i64, scratch_operands = 3 : i64, tpu.core_type = #tpu.core_type<sc_vector_subcore>, window_params = [{transform_indices = #map}, {transform_indices = #map1}, {transform_indices = #map1}, {transform_indices = #map}]} {
    %mul3A = arith.constant 16 : i32
    %mul3A_0 = arith.muli %arg0, %mul3A : i32
    %add3A = arith.addi %mul3A_0, %arg1 : i32
    "tpu.region"() ({
      %run_scoped3A = tpu.sem_alloc : memref<!tpu.dma_semaphore, #tpu.memory_space<semaphore_mem>>
      %dma_start3A = arith.constant 0 : i32
      %dma_start3A_15 = arith.constant 0 : i32
      %dma_start3A_16 = tpu.memref_slice %arg2[%add3A, %dma_start3A, %dma_start3A_15] : memref<32x80x128xi32, #tpu.memory_space<hbm>> -> memref<1x80x128xi32, #tpu.memory_space<hbm>>
      %dma_start3A_17 = tpu.memref_squeeze %dma_start3A_16 : memref<1x80x128xi32, #tpu.memory_space<hbm>> -> memref<80x128xi32, #tpu.memory_space<hbm>>
      %dma_start3A_18 = arith.constant 0 : i32
      %dma_start3A_19 = arith.constant 0 : i32
      %dma_start3A_20 = tpu.memref_slice %arg2[%add3A, %dma_start3A_18, %dma_start3A_19] : memref<32x80x128xi32, #tpu.memory_space<hbm>> -> memref<1x80x128xi32, #tpu.memory_space<hbm>>
      %dma_start3A_21 = tpu.memref_squeeze %dma_start3A_20 : memref<1x80x128xi32, #tpu.memory_space<hbm>> -> memref<80x128xi32, #tpu.memory_space<hbm>>
      tpu.enqueue_dma source(%dma_start3A_21 : memref<80x128xi32, #tpu.memory_space<hbm>>) target(%arg6 : memref<80x128xi32, #tpu.memory_space<vmem>>) target_semaphore(%run_scoped3A : memref<!tpu.dma_semaphore, #tpu.memory_space<semaphore_mem>>)
      %dma_wait3A = arith.constant 0 : i32
      %dma_wait3A_22 = arith.constant 0 : i32
      %dma_wait3A_23 = tpu.memref_slice %arg2[%add3A, %dma_wait3A, %dma_wait3A_22] : memref<32x80x128xi32, #tpu.memory_space<hbm>> -> memref<1x80x128xi32, #tpu.memory_space<hbm>>
      %dma_wait3A_24 = tpu.memref_squeeze %dma_wait3A_23 : memref<1x80x128xi32, #tpu.memory_space<hbm>> -> memref<80x128xi32, #tpu.memory_space<hbm>>
      %dma_wait3A_25 = arith.constant 0 : i32
      %dma_wait3A_26 = arith.constant 0 : i32
      %dma_wait3A_27 = tpu.memref_slice %arg2[%add3A, %dma_wait3A_25, %dma_wait3A_26] : memref<32x80x128xi32, #tpu.memory_space<hbm>> -> memref<1x80x128xi32, #tpu.memory_space<hbm>>
      %dma_wait3A_28 = tpu.memref_squeeze %dma_wait3A_27 : memref<1x80x128xi32, #tpu.memory_space<hbm>> -> memref<80x128xi32, #tpu.memory_space<hbm>>
      tpu.wait_dma2 semaphore(%run_scoped3A : memref<!tpu.dma_semaphore, #tpu.memory_space<semaphore_mem>>) src(%dma_wait3A_28 : memref<80x128xi32, #tpu.memory_space<hbm>>) dst(%arg6 : memref<80x128xi32, #tpu.memory_space<vmem>>)
      tpu.yield
    }) : () -> ()
    "tpu.region"() ({
      %run_scoped3A = tpu.sem_alloc : memref<!tpu.dma_semaphore, #tpu.memory_space<semaphore_mem>>
      tpu.enqueue_dma source(%arg4 : memref<128x128xf32, #tpu.memory_space<hbm>>) target(%arg7 : memref<128x128xf32, #tpu.memory_space<vmem>>) target_semaphore(%run_scoped3A : memref<!tpu.dma_semaphore, #tpu.memory_space<semaphore_mem>>)
      tpu.wait_dma2 semaphore(%run_scoped3A : memref<!tpu.dma_semaphore, #tpu.memory_space<semaphore_mem>>) src(%arg4 : memref<128x128xf32, #tpu.memory_space<hbm>>) dst(%arg7 : memref<128x128xf32, #tpu.memory_space<vmem>>)
      tpu.yield
    }) : () -> ()
    %mul3A_1 = arith.constant 632 : i32
    %mul3A_2 = arith.muli %arg1, %mul3A_1 : i32
    %mul3A_3 = arith.constant 632 : i32
    %mul3A_4 = arith.muli %arg1, %mul3A_3 : i32
    "tpu.region"() ({
      %run_scoped3A = tpu.sem_alloc : memref<!tpu.dma_semaphore, #tpu.memory_space<semaphore_mem>>
      %dma_start3A = arith.constant 0 : i32
      %dma_start3A_15 = tpu.memref_slice %arg8[%mul3A_4, %dma_start3A] : memref<10112x128xf32, #tpu.memory_space<vmem_shared>> -> memref<632x128xf32, #tpu.memory_space<vmem_shared>>
      %dma_start3A_16 = arith.constant 0 : i32
      %dma_start3A_17 = tpu.memref_slice %arg3[%mul3A_2, %dma_start3A_16] : memref<10112x128xf32, #tpu.memory_space<hbm>> -> memref<632x128xf32, #tpu.memory_space<hbm>>
      tpu.enqueue_dma source(%dma_start3A_17 : memref<632x128xf32, #tpu.memory_space<hbm>>) target(%dma_start3A_15 : memref<632x128xf32, #tpu.memory_space<vmem_shared>>) target_semaphore(%run_scoped3A : memref<!tpu.dma_semaphore, #tpu.memory_space<semaphore_mem>>)
      %dma_wait3A = arith.constant 0 : i32
      %dma_wait3A_18 = tpu.memref_slice %arg8[%mul3A_4, %dma_wait3A] : memref<10112x128xf32, #tpu.memory_space<vmem_shared>> -> memref<632x128xf32, #tpu.memory_space<vmem_shared>>
      %dma_wait3A_19 = arith.constant 0 : i32
      %dma_wait3A_20 = tpu.memref_slice %arg3[%mul3A_2, %dma_wait3A_19] : memref<10112x128xf32, #tpu.memory_space<hbm>> -> memref<632x128xf32, #tpu.memory_space<hbm>>
      tpu.wait_dma2 semaphore(%run_scoped3A : memref<!tpu.dma_semaphore, #tpu.memory_space<semaphore_mem>>) src(%dma_wait3A_20 : memref<632x128xf32, #tpu.memory_space<hbm>>) dst(%dma_wait3A_18 : memref<632x128xf32, #tpu.memory_space<vmem_shared>>)
      tpu.yield
    }) : () -> ()
    %barrier3A = arith.constant 0 : index
    tpu.barrier barrier_id(%barrier3A)
    %scan3A = arith.constant 0 : i32
    %scan3A_5 = arith.constant 0 : i32
    %scan3A_6 = arith.constant 80 : i32
    %scan3A_7 = arith.addi %scan3A_5, %scan3A_6 : i32
    %scan3A_8 = arith.constant 1 : i32
    scf.for %scan3A_15 = %scan3A_5 to %scan3A_7 step %scan3A_8  : i32 {
      "tpu.region"() ({
        %run_scoped3A = tpu.sem_alloc : memref<!tpu.dma_semaphore, #tpu.memory_space<semaphore_mem>>
        %dma_start3A = arith.constant 0 : i32
        %dma_start3A_16 = tpu.memref_slice %arg6[%scan3A_15, %dma_start3A] : memref<80x128xi32, #tpu.memory_space<vmem>> -> memref<1x128xi32, #tpu.memory_space<vmem>>
        %dma_start3A_17 = tpu.memref_squeeze %dma_start3A_16 : memref<1x128xi32, #tpu.memory_space<vmem>> -> memref<128xi32, #tpu.memory_space<vmem>>
        %dma_start3A_18 = arith.constant 0 : i32
        %dma_start3A_19 = arith.constant 0 : i32
        %dma_start3A_20 = tpu.memref_slice %arg8[%dma_start3A_18, %dma_start3A_19] : memref<10112x128xf32, #tpu.memory_space<vmem_shared>> -> memref<10112x128xf32, #tpu.memory_space<vmem_shared>>
        tpu.enqueue_indirect_dma source(%arg7 : memref<128x128xf32, #tpu.memory_space<vmem>>) target(%dma_start3A_20 : memref<10112x128xf32, #tpu.memory_space<vmem_shared>>) offsets(%dma_start3A_17 : memref<128xi32, #tpu.memory_space<vmem>>) semaphore(%run_scoped3A : memref<!tpu.dma_semaphore, #tpu.memory_space<semaphore_mem>>) {add = true}
        %dma_wait3A = arith.constant 0 : i32
        %dma_wait3A_21 = tpu.memref_slice %arg6[%scan3A_15, %dma_wait3A] : memref<80x128xi32, #tpu.memory_space<vmem>> -> memref<1x128xi32, #tpu.memory_space<vmem>>
        %dma_wait3A_22 = tpu.memref_squeeze %dma_wait3A_21 : memref<1x128xi32, #tpu.memory_space<vmem>> -> memref<128xi32, #tpu.memory_space<vmem>>
        %dma_wait3A_23 = arith.constant 0 : i32
        %dma_wait3A_24 = arith.constant 0 : i32
        %dma_wait3A_25 = tpu.memref_slice %arg8[%dma_wait3A_23, %dma_wait3A_24] : memref<10112x128xf32, #tpu.memory_space<vmem_shared>> -> memref<10112x128xf32, #tpu.memory_space<vmem_shared>>
        tpu.wait_indirect_dma semaphore(%run_scoped3A : memref<!tpu.dma_semaphore, #tpu.memory_space<semaphore_mem>>) src(%arg7 : memref<128x128xf32, #tpu.memory_space<vmem>>) dst(%dma_wait3A_25 : memref<10112x128xf32, #tpu.memory_space<vmem_shared>>)
        tpu.yield
      }) : () -> ()
    }
    %scan3A_9 = arith.constant 80 : i32
    %barrier3A_10 = arith.constant 0 : index
    tpu.barrier barrier_id(%barrier3A_10)
    %mul3A_11 = arith.constant 632 : i32
    %mul3A_12 = arith.muli %arg1, %mul3A_11 : i32
    %mul3A_13 = arith.constant 632 : i32
    %mul3A_14 = arith.muli %arg1, %mul3A_13 : i32
    "tpu.region"() ({
      %run_scoped3A = tpu.sem_alloc : memref<!tpu.dma_semaphore, #tpu.memory_space<semaphore_mem>>
      %dma_start3A = arith.constant 0 : i32
      %dma_start3A_15 = tpu.memref_slice %arg5[%arg0, %mul3A_14, %dma_start3A] : memref<2x10112x128xf32, #tpu.memory_space<hbm>> -> memref<1x632x128xf32, #tpu.memory_space<hbm>>
      %dma_start3A_16 = tpu.memref_squeeze %dma_start3A_15 : memref<1x632x128xf32, #tpu.memory_space<hbm>> -> memref<632x128xf32, #tpu.memory_space<hbm>>
      %dma_start3A_17 = arith.constant 0 : i32
      %dma_start3A_18 = tpu.memref_slice %arg8[%mul3A_12, %dma_start3A_17] : memref<10112x128xf32, #tpu.memory_space<vmem_shared>> -> memref<632x128xf32, #tpu.memory_space<vmem_shared>>
      tpu.enqueue_dma source(%dma_start3A_18 : memref<632x128xf32, #tpu.memory_space<vmem_shared>>) target(%dma_start3A_16 : memref<632x128xf32, #tpu.memory_space<hbm>>) target_semaphore(%run_scoped3A : memref<!tpu.dma_semaphore, #tpu.memory_space<semaphore_mem>>)
      %dma_wait3A = arith.constant 0 : i32
      %dma_wait3A_19 = tpu.memref_slice %arg5[%arg0, %mul3A_14, %dma_wait3A] : memref<2x10112x128xf32, #tpu.memory_space<hbm>> -> memref<1x632x128xf32, #tpu.memory_space<hbm>>
      %dma_wait3A_20 = tpu.memref_squeeze %dma_wait3A_19 : memref<1x632x128xf32, #tpu.memory_space<hbm>> -> memref<632x128xf32, #tpu.memory_space<hbm>>
      %dma_wait3A_21 = arith.constant 0 : i32
      %dma_wait3A_22 = tpu.memref_slice %arg8[%mul3A_12, %dma_wait3A_21] : memref<10112x128xf32, #tpu.memory_space<vmem_shared>> -> memref<632x128xf32, #tpu.memory_space<vmem_shared>>
      tpu.wait_dma2 semaphore(%run_scoped3A : memref<!tpu.dma_semaphore, #tpu.memory_space<semaphore_mem>>) src(%dma_wait3A_22 : memref<632x128xf32, #tpu.memory_space<vmem_shared>>) dst(%dma_wait3A_20 : memref<632x128xf32, #tpu.memory_space<hbm>>)
      tpu.yield
    }) : () -> ()
    return
  }
}

#map = affine_map<(d0, d1) -> (0, 0)>
#map1 = affine_map<(d0, d1) -> (0, 0, 0)>
module attributes {stable_mosaic.version = 14 : i64} {
  func.func @_sc_agg_body(%arg0: i32, %arg1: i32, %arg2: memref<10112x128xf32, #tpu.memory_space<hbm>>, %arg3: memref<32x80x128xi32, #tpu.memory_space<hbm>>, %arg4: memref<32x80x128xi32, #tpu.memory_space<hbm>>, %arg5: memref<10112x128xf32, #tpu.memory_space<hbm>>, %arg6: memref<2x10112x128xf32, #tpu.memory_space<hbm>>, %arg7: memref<80x128xi32, #tpu.memory_space<vmem>>, %arg8: memref<80x128xi32, #tpu.memory_space<vmem>>, %arg9: memref<128x128xf32, #tpu.memory_space<vmem>>, %arg10: memref<10112x128xf32, #tpu.memory_space<vmem_shared>>, %arg11: memref<!tpu.dma_semaphore, #tpu.memory_space<semaphore_mem>>) attributes {dimension_semantics = [#tpu.dimension_semantics<core_parallel>, #tpu.dimension_semantics<subcore_parallel>], iteration_bounds = array<i64: 2, 16>, scalar_prefetch = 0 : i64, scratch_operands = 5 : i64, tpu.core_type = #tpu.core_type<sc_vector_subcore>, window_params = [{transform_indices = #map}, {transform_indices = #map1}, {transform_indices = #map1}, {transform_indices = #map}, {transform_indices = #map1}]} {
    %mul3A = arith.constant 16 : i32
    %mul3A_0 = arith.muli %arg0, %mul3A : i32
    %add3A = arith.addi %mul3A_0, %arg1 : i32
    "tpu.region"() ({
      %run_scoped3A = tpu.sem_alloc : memref<!tpu.dma_semaphore, #tpu.memory_space<semaphore_mem>>
      %dma_start3A = arith.constant 0 : i32
      %dma_start3A_15 = arith.constant 0 : i32
      %dma_start3A_16 = tpu.memref_slice %arg3[%add3A, %dma_start3A, %dma_start3A_15] : memref<32x80x128xi32, #tpu.memory_space<hbm>> -> memref<1x80x128xi32, #tpu.memory_space<hbm>>
      %dma_start3A_17 = tpu.memref_squeeze %dma_start3A_16 : memref<1x80x128xi32, #tpu.memory_space<hbm>> -> memref<80x128xi32, #tpu.memory_space<hbm>>
      %dma_start3A_18 = arith.constant 0 : i32
      %dma_start3A_19 = arith.constant 0 : i32
      %dma_start3A_20 = tpu.memref_slice %arg3[%add3A, %dma_start3A_18, %dma_start3A_19] : memref<32x80x128xi32, #tpu.memory_space<hbm>> -> memref<1x80x128xi32, #tpu.memory_space<hbm>>
      %dma_start3A_21 = tpu.memref_squeeze %dma_start3A_20 : memref<1x80x128xi32, #tpu.memory_space<hbm>> -> memref<80x128xi32, #tpu.memory_space<hbm>>
      tpu.enqueue_dma source(%dma_start3A_21 : memref<80x128xi32, #tpu.memory_space<hbm>>) target(%arg7 : memref<80x128xi32, #tpu.memory_space<vmem>>) target_semaphore(%run_scoped3A : memref<!tpu.dma_semaphore, #tpu.memory_space<semaphore_mem>>)
      %dma_wait3A = arith.constant 0 : i32
      %dma_wait3A_22 = arith.constant 0 : i32
      %dma_wait3A_23 = tpu.memref_slice %arg3[%add3A, %dma_wait3A, %dma_wait3A_22] : memref<32x80x128xi32, #tpu.memory_space<hbm>> -> memref<1x80x128xi32, #tpu.memory_space<hbm>>
      %dma_wait3A_24 = tpu.memref_squeeze %dma_wait3A_23 : memref<1x80x128xi32, #tpu.memory_space<hbm>> -> memref<80x128xi32, #tpu.memory_space<hbm>>
      %dma_wait3A_25 = arith.constant 0 : i32
      %dma_wait3A_26 = arith.constant 0 : i32
      %dma_wait3A_27 = tpu.memref_slice %arg3[%add3A, %dma_wait3A_25, %dma_wait3A_26] : memref<32x80x128xi32, #tpu.memory_space<hbm>> -> memref<1x80x128xi32, #tpu.memory_space<hbm>>
      %dma_wait3A_28 = tpu.memref_squeeze %dma_wait3A_27 : memref<1x80x128xi32, #tpu.memory_space<hbm>> -> memref<80x128xi32, #tpu.memory_space<hbm>>
      tpu.wait_dma2 semaphore(%run_scoped3A : memref<!tpu.dma_semaphore, #tpu.memory_space<semaphore_mem>>) src(%dma_wait3A_28 : memref<80x128xi32, #tpu.memory_space<hbm>>) dst(%arg7 : memref<80x128xi32, #tpu.memory_space<vmem>>)
      tpu.yield
    }) : () -> ()
    "tpu.region"() ({
      %run_scoped3A = tpu.sem_alloc : memref<!tpu.dma_semaphore, #tpu.memory_space<semaphore_mem>>
      %dma_start3A = arith.constant 0 : i32
      %dma_start3A_15 = arith.constant 0 : i32
      %dma_start3A_16 = tpu.memref_slice %arg4[%add3A, %dma_start3A, %dma_start3A_15] : memref<32x80x128xi32, #tpu.memory_space<hbm>> -> memref<1x80x128xi32, #tpu.memory_space<hbm>>
      %dma_start3A_17 = tpu.memref_squeeze %dma_start3A_16 : memref<1x80x128xi32, #tpu.memory_space<hbm>> -> memref<80x128xi32, #tpu.memory_space<hbm>>
      %dma_start3A_18 = arith.constant 0 : i32
      %dma_start3A_19 = arith.constant 0 : i32
      %dma_start3A_20 = tpu.memref_slice %arg4[%add3A, %dma_start3A_18, %dma_start3A_19] : memref<32x80x128xi32, #tpu.memory_space<hbm>> -> memref<1x80x128xi32, #tpu.memory_space<hbm>>
      %dma_start3A_21 = tpu.memref_squeeze %dma_start3A_20 : memref<1x80x128xi32, #tpu.memory_space<hbm>> -> memref<80x128xi32, #tpu.memory_space<hbm>>
      tpu.enqueue_dma source(%dma_start3A_21 : memref<80x128xi32, #tpu.memory_space<hbm>>) target(%arg8 : memref<80x128xi32, #tpu.memory_space<vmem>>) target_semaphore(%run_scoped3A : memref<!tpu.dma_semaphore, #tpu.memory_space<semaphore_mem>>)
      %dma_wait3A = arith.constant 0 : i32
      %dma_wait3A_22 = arith.constant 0 : i32
      %dma_wait3A_23 = tpu.memref_slice %arg4[%add3A, %dma_wait3A, %dma_wait3A_22] : memref<32x80x128xi32, #tpu.memory_space<hbm>> -> memref<1x80x128xi32, #tpu.memory_space<hbm>>
      %dma_wait3A_24 = tpu.memref_squeeze %dma_wait3A_23 : memref<1x80x128xi32, #tpu.memory_space<hbm>> -> memref<80x128xi32, #tpu.memory_space<hbm>>
      %dma_wait3A_25 = arith.constant 0 : i32
      %dma_wait3A_26 = arith.constant 0 : i32
      %dma_wait3A_27 = tpu.memref_slice %arg4[%add3A, %dma_wait3A_25, %dma_wait3A_26] : memref<32x80x128xi32, #tpu.memory_space<hbm>> -> memref<1x80x128xi32, #tpu.memory_space<hbm>>
      %dma_wait3A_28 = tpu.memref_squeeze %dma_wait3A_27 : memref<1x80x128xi32, #tpu.memory_space<hbm>> -> memref<80x128xi32, #tpu.memory_space<hbm>>
      tpu.wait_dma2 semaphore(%run_scoped3A : memref<!tpu.dma_semaphore, #tpu.memory_space<semaphore_mem>>) src(%dma_wait3A_28 : memref<80x128xi32, #tpu.memory_space<hbm>>) dst(%arg8 : memref<80x128xi32, #tpu.memory_space<vmem>>)
      tpu.yield
    }) : () -> ()
    %mul3A_1 = arith.constant 632 : i32
    %mul3A_2 = arith.muli %arg1, %mul3A_1 : i32
    %mul3A_3 = arith.constant 632 : i32
    %mul3A_4 = arith.muli %arg1, %mul3A_3 : i32
    "tpu.region"() ({
      %run_scoped3A = tpu.sem_alloc : memref<!tpu.dma_semaphore, #tpu.memory_space<semaphore_mem>>
      %dma_start3A = arith.constant 0 : i32
      %dma_start3A_15 = tpu.memref_slice %arg10[%mul3A_4, %dma_start3A] : memref<10112x128xf32, #tpu.memory_space<vmem_shared>> -> memref<632x128xf32, #tpu.memory_space<vmem_shared>>
      %dma_start3A_16 = arith.constant 0 : i32
      %dma_start3A_17 = tpu.memref_slice %arg5[%mul3A_2, %dma_start3A_16] : memref<10112x128xf32, #tpu.memory_space<hbm>> -> memref<632x128xf32, #tpu.memory_space<hbm>>
      tpu.enqueue_dma source(%dma_start3A_17 : memref<632x128xf32, #tpu.memory_space<hbm>>) target(%dma_start3A_15 : memref<632x128xf32, #tpu.memory_space<vmem_shared>>) target_semaphore(%run_scoped3A : memref<!tpu.dma_semaphore, #tpu.memory_space<semaphore_mem>>)
      %dma_wait3A = arith.constant 0 : i32
      %dma_wait3A_18 = tpu.memref_slice %arg10[%mul3A_4, %dma_wait3A] : memref<10112x128xf32, #tpu.memory_space<vmem_shared>> -> memref<632x128xf32, #tpu.memory_space<vmem_shared>>
      %dma_wait3A_19 = arith.constant 0 : i32
      %dma_wait3A_20 = tpu.memref_slice %arg5[%mul3A_2, %dma_wait3A_19] : memref<10112x128xf32, #tpu.memory_space<hbm>> -> memref<632x128xf32, #tpu.memory_space<hbm>>
      tpu.wait_dma2 semaphore(%run_scoped3A : memref<!tpu.dma_semaphore, #tpu.memory_space<semaphore_mem>>) src(%dma_wait3A_20 : memref<632x128xf32, #tpu.memory_space<hbm>>) dst(%dma_wait3A_18 : memref<632x128xf32, #tpu.memory_space<vmem_shared>>)
      tpu.yield
    }) : () -> ()
    %barrier3A = arith.constant 0 : index
    tpu.barrier barrier_id(%barrier3A)
    %scan3A = arith.constant 0 : i32
    %scan3A_5 = arith.constant 0 : i32
    %scan3A_6 = arith.constant 80 : i32
    %scan3A_7 = arith.addi %scan3A_5, %scan3A_6 : i32
    %scan3A_8 = arith.constant 1 : i32
    scf.for %scan3A_15 = %scan3A_5 to %scan3A_7 step %scan3A_8  : i32 {
      %dma_start3A = arith.constant 0 : i32
      %dma_start3A_16 = tpu.memref_slice %arg7[%scan3A_15, %dma_start3A] : memref<80x128xi32, #tpu.memory_space<vmem>> -> memref<1x128xi32, #tpu.memory_space<vmem>>
      %dma_start3A_17 = tpu.memref_squeeze %dma_start3A_16 : memref<1x128xi32, #tpu.memory_space<vmem>> -> memref<128xi32, #tpu.memory_space<vmem>>
      %dma_start3A_18 = arith.constant 0 : i32
      %dma_start3A_19 = arith.constant 0 : i32
      %dma_start3A_20 = tpu.memref_slice %arg2[%dma_start3A_18, %dma_start3A_19] : memref<10112x128xf32, #tpu.memory_space<hbm>> -> memref<10112x128xf32, #tpu.memory_space<hbm>>
      tpu.enqueue_indirect_dma source(%dma_start3A_20 : memref<10112x128xf32, #tpu.memory_space<hbm>>) target(%arg9 : memref<128x128xf32, #tpu.memory_space<vmem>>) offsets(%dma_start3A_17 : memref<128xi32, #tpu.memory_space<vmem>>) semaphore(%arg11 : memref<!tpu.dma_semaphore, #tpu.memory_space<semaphore_mem>>)
      %dma_wait3A = arith.constant 0 : i32
      %dma_wait3A_21 = tpu.memref_slice %arg7[%scan3A_15, %dma_wait3A] : memref<80x128xi32, #tpu.memory_space<vmem>> -> memref<1x128xi32, #tpu.memory_space<vmem>>
      %dma_wait3A_22 = tpu.memref_squeeze %dma_wait3A_21 : memref<1x128xi32, #tpu.memory_space<vmem>> -> memref<128xi32, #tpu.memory_space<vmem>>
      %dma_wait3A_23 = arith.constant 0 : i32
      %dma_wait3A_24 = arith.constant 0 : i32
      %dma_wait3A_25 = tpu.memref_slice %arg2[%dma_wait3A_23, %dma_wait3A_24] : memref<10112x128xf32, #tpu.memory_space<hbm>> -> memref<10112x128xf32, #tpu.memory_space<hbm>>
      tpu.wait_indirect_dma semaphore(%arg11 : memref<!tpu.dma_semaphore, #tpu.memory_space<semaphore_mem>>) src(%dma_wait3A_25 : memref<10112x128xf32, #tpu.memory_space<hbm>>) dst(%arg9 : memref<128x128xf32, #tpu.memory_space<vmem>>)
      "tpu.region"() ({
        %run_scoped3A = tpu.sem_alloc : memref<!tpu.dma_semaphore, #tpu.memory_space<semaphore_mem>>
        %dma_start3A_26 = arith.constant 0 : i32
        %dma_start3A_27 = tpu.memref_slice %arg8[%scan3A_15, %dma_start3A_26] : memref<80x128xi32, #tpu.memory_space<vmem>> -> memref<1x128xi32, #tpu.memory_space<vmem>>
        %dma_start3A_28 = tpu.memref_squeeze %dma_start3A_27 : memref<1x128xi32, #tpu.memory_space<vmem>> -> memref<128xi32, #tpu.memory_space<vmem>>
        %dma_start3A_29 = arith.constant 0 : i32
        %dma_start3A_30 = arith.constant 0 : i32
        %dma_start3A_31 = tpu.memref_slice %arg10[%dma_start3A_29, %dma_start3A_30] : memref<10112x128xf32, #tpu.memory_space<vmem_shared>> -> memref<10112x128xf32, #tpu.memory_space<vmem_shared>>
        tpu.enqueue_indirect_dma source(%arg9 : memref<128x128xf32, #tpu.memory_space<vmem>>) target(%dma_start3A_31 : memref<10112x128xf32, #tpu.memory_space<vmem_shared>>) offsets(%dma_start3A_28 : memref<128xi32, #tpu.memory_space<vmem>>) semaphore(%run_scoped3A : memref<!tpu.dma_semaphore, #tpu.memory_space<semaphore_mem>>) {add = true}
        %dma_wait3A_32 = arith.constant 0 : i32
        %dma_wait3A_33 = tpu.memref_slice %arg8[%scan3A_15, %dma_wait3A_32] : memref<80x128xi32, #tpu.memory_space<vmem>> -> memref<1x128xi32, #tpu.memory_space<vmem>>
        %dma_wait3A_34 = tpu.memref_squeeze %dma_wait3A_33 : memref<1x128xi32, #tpu.memory_space<vmem>> -> memref<128xi32, #tpu.memory_space<vmem>>
        %dma_wait3A_35 = arith.constant 0 : i32
        %dma_wait3A_36 = arith.constant 0 : i32
        %dma_wait3A_37 = tpu.memref_slice %arg10[%dma_wait3A_35, %dma_wait3A_36] : memref<10112x128xf32, #tpu.memory_space<vmem_shared>> -> memref<10112x128xf32, #tpu.memory_space<vmem_shared>>
        tpu.wait_indirect_dma semaphore(%run_scoped3A : memref<!tpu.dma_semaphore, #tpu.memory_space<semaphore_mem>>) src(%arg9 : memref<128x128xf32, #tpu.memory_space<vmem>>) dst(%dma_wait3A_37 : memref<10112x128xf32, #tpu.memory_space<vmem_shared>>)
        tpu.yield
      }) : () -> ()
    }
    %scan3A_9 = arith.constant 80 : i32
    %barrier3A_10 = arith.constant 0 : index
    tpu.barrier barrier_id(%barrier3A_10)
    %mul3A_11 = arith.constant 632 : i32
    %mul3A_12 = arith.muli %arg1, %mul3A_11 : i32
    %mul3A_13 = arith.constant 632 : i32
    %mul3A_14 = arith.muli %arg1, %mul3A_13 : i32
    "tpu.region"() ({
      %run_scoped3A = tpu.sem_alloc : memref<!tpu.dma_semaphore, #tpu.memory_space<semaphore_mem>>
      %dma_start3A = arith.constant 0 : i32
      %dma_start3A_15 = tpu.memref_slice %arg6[%arg0, %mul3A_14, %dma_start3A] : memref<2x10112x128xf32, #tpu.memory_space<hbm>> -> memref<1x632x128xf32, #tpu.memory_space<hbm>>
      %dma_start3A_16 = tpu.memref_squeeze %dma_start3A_15 : memref<1x632x128xf32, #tpu.memory_space<hbm>> -> memref<632x128xf32, #tpu.memory_space<hbm>>
      %dma_start3A_17 = arith.constant 0 : i32
      %dma_start3A_18 = tpu.memref_slice %arg10[%mul3A_12, %dma_start3A_17] : memref<10112x128xf32, #tpu.memory_space<vmem_shared>> -> memref<632x128xf32, #tpu.memory_space<vmem_shared>>
      tpu.enqueue_dma source(%dma_start3A_18 : memref<632x128xf32, #tpu.memory_space<vmem_shared>>) target(%dma_start3A_16 : memref<632x128xf32, #tpu.memory_space<hbm>>) target_semaphore(%run_scoped3A : memref<!tpu.dma_semaphore, #tpu.memory_space<semaphore_mem>>)
      %dma_wait3A = arith.constant 0 : i32
      %dma_wait3A_19 = tpu.memref_slice %arg6[%arg0, %mul3A_14, %dma_wait3A] : memref<2x10112x128xf32, #tpu.memory_space<hbm>> -> memref<1x632x128xf32, #tpu.memory_space<hbm>>
      %dma_wait3A_20 = tpu.memref_squeeze %dma_wait3A_19 : memref<1x632x128xf32, #tpu.memory_space<hbm>> -> memref<632x128xf32, #tpu.memory_space<hbm>>
      %dma_wait3A_21 = arith.constant 0 : i32
      %dma_wait3A_22 = tpu.memref_slice %arg10[%mul3A_12, %dma_wait3A_21] : memref<10112x128xf32, #tpu.memory_space<vmem_shared>> -> memref<632x128xf32, #tpu.memory_space<vmem_shared>>
      tpu.wait_dma2 semaphore(%run_scoped3A : memref<!tpu.dma_semaphore, #tpu.memory_space<semaphore_mem>>) src(%dma_wait3A_22 : memref<632x128xf32, #tpu.memory_space<vmem_shared>>) dst(%dma_wait3A_20 : memref<632x128xf32, #tpu.memory_space<hbm>>)
      tpu.yield
    }) : () -> ()
    return
  }
}

module attributes {stable_mosaic.version = 14 : i64} {
  func.func @_tc_pre_body(%arg0: memref<2x10112x128xf32, #tpu.memory_space<vmem>>, %arg1: memref<10112x128xf32, #tpu.memory_space<vmem>>, %arg2: memref<128x128xf32, #tpu.memory_space<vmem>>, %arg3: memref<10112x128xf32, #tpu.memory_space<vmem>>, %arg4: memref<10112x16xf32, #tpu.memory_space<vmem>>) attributes {dimension_semantics = [], scalar_prefetch = 0 : i64, scratch_operands = 0 : i64, tpu.core_type = #tpu.core_type<tc>} {
    %get3A = arith.constant 0 : index
    %get3A_0 = arith.constant 0 : index
    %get3A_1 = arith.constant 0 : index
    %get3A_2 = vector.load %arg0[%get3A, %get3A_0, %get3A_1] : memref<2x10112x128xf32, #tpu.memory_space<vmem>>, vector<1x10112x128xf32>
    %get3A_3 = vector.shape_cast %get3A_2 : vector<1x10112x128xf32> to vector<10112x128xf32>
    %slice3A = vector.extract_strided_slice %get3A_3 {offsets = [0, 0], sizes = [10112, 16], strides = [1, 1]} : vector<10112x128xf32> to vector<10112x16xf32>
    %get3A_4 = arith.constant 1 : index
    %get3A_5 = arith.constant 0 : index
    %get3A_6 = arith.constant 0 : index
    %get3A_7 = vector.load %arg0[%get3A_4, %get3A_5, %get3A_6] : memref<2x10112x128xf32, #tpu.memory_space<vmem>>, vector<1x10112x128xf32>
    %get3A_8 = vector.shape_cast %get3A_7 : vector<1x10112x128xf32> to vector<10112x128xf32>
    %slice3A_9 = vector.extract_strided_slice %get3A_8 {offsets = [0, 0], sizes = [10112, 16], strides = [1, 1]} : vector<10112x128xf32> to vector<10112x16xf32>
    %add3A = arith.addf %slice3A, %slice3A_9 : vector<10112x16xf32>
    %add3A_10 = arith.constant 1.000000e+00 : f32
    %add3A_11 = vector.broadcast %add3A_10 : f32 to vector<10112x16xf32>
    %add3A_12 = arith.addf %add3A, %add3A_11 : vector<10112x16xf32>
    %rsqrt3A = math.rsqrt %add3A_12 : vector<10112x16xf32>
    %swap3A = arith.constant 0 : index
    %swap3A_13 = arith.constant 0 : index
    %swap3A_14 = vector.load %arg4[%swap3A, %swap3A_13] : memref<10112x16xf32, #tpu.memory_space<vmem>>, vector<10112x16xf32>
    tpu.vector_store %arg4[%swap3A, %swap3A_13], %rsqrt3A {strides = array<i32>} : memref<10112x16xf32, #tpu.memory_space<vmem>>, vector<10112x16xf32>,
    %get3A_15 = arith.constant 0 : index
    %get3A_16 = arith.constant 0 : index
    %get3A_17 = vector.load %arg1[%get3A_15, %get3A_16] : memref<10112x128xf32, #tpu.memory_space<vmem>>, vector<10112x128xf32>
    %get3A_18 = arith.constant 0 : index
    %get3A_19 = arith.constant 0 : index
    %get3A_20 = vector.load %arg2[%get3A_18, %get3A_19] : memref<128x128xf32, #tpu.memory_space<vmem>>, vector<128x128xf32>
    %dot_general3A = arith.constant dense<0.000000e+00> : vector<10112x128xf32>
    %dot_general3A_21 = tpu.matmul %get3A_17, %get3A_20, %dot_general3A {dimension_numbers = #tpu.dot_dimension_numbers<[1], [0], [0], [1], [0, 0, 1, 1], [], []>, transpose_lhs_hint = false} : vector<10112x128xf32>, vector<128x128xf32>, vector<10112x128xf32> -> vector<10112x128xf32>
    %slice3A_22 = vector.extract_strided_slice %rsqrt3A {offsets = [0, 0], sizes = [10112, 1], strides = [1, 1]} : vector<10112x16xf32> to vector<10112x1xf32>
    %mul3A = vector.broadcast %slice3A_22 : vector<10112x1xf32> to vector<10112x128xf32>
    %mul3A_23 = arith.mulf %dot_general3A_21, %mul3A : vector<10112x128xf32>
    %swap3A_24 = arith.constant 0 : index
    %swap3A_25 = arith.constant 0 : index
    %swap3A_26 = vector.load %arg3[%swap3A_24, %swap3A_25] : memref<10112x128xf32, #tpu.memory_space<vmem>>, vector<10112x128xf32>
    tpu.vector_store %arg3[%swap3A_24, %swap3A_25], %mul3A_23 {strides = array<i32>} : memref<10112x128xf32, #tpu.memory_space<vmem>>, vector<10112x128xf32>,
    return
  }
}

module attributes {stable_mosaic.version = 14 : i64} {
  func.func @_tc_mid_body(%arg0: memref<2x10112x128xf32, #tpu.memory_space<vmem>>, %arg1: memref<10112x128xf32, #tpu.memory_space<vmem>>, %arg2: memref<10112x16xf32, #tpu.memory_space<vmem>>, %arg3: memref<1x128xf32, #tpu.memory_space<vmem>>, %arg4: memref<1x128xf32, #tpu.memory_space<vmem>>, %arg5: memref<1x128xf32, #tpu.memory_space<vmem>>, %arg6: memref<128x128xf32, #tpu.memory_space<vmem>>, %arg7: memref<10112x128xf32, #tpu.memory_space<vmem>>) attributes {dimension_semantics = [], scalar_prefetch = 0 : i64, scratch_operands = 0 : i64, tpu.core_type = #tpu.core_type<tc>} {
    %get3A = arith.constant 0 : index
    %get3A_0 = arith.constant 0 : index
    %get3A_1 = vector.load %arg2[%get3A, %get3A_0] : memref<10112x16xf32, #tpu.memory_space<vmem>>, vector<10112x16xf32>
    %slice3A = vector.extract_strided_slice %get3A_1 {offsets = [0, 0], sizes = [10112, 1], strides = [1, 1]} : vector<10112x16xf32> to vector<10112x1xf32>
    %get3A_2 = arith.constant 0 : index
    %get3A_3 = arith.constant 0 : index
    %get3A_4 = arith.constant 0 : index
    %get3A_5 = vector.load %arg0[%get3A_2, %get3A_3, %get3A_4] : memref<2x10112x128xf32, #tpu.memory_space<vmem>>, vector<1x10112x128xf32>
    %get3A_6 = vector.shape_cast %get3A_5 : vector<1x10112x128xf32> to vector<10112x128xf32>
    %get3A_7 = arith.constant 1 : index
    %get3A_8 = arith.constant 0 : index
    %get3A_9 = arith.constant 0 : index
    %get3A_10 = vector.load %arg0[%get3A_7, %get3A_8, %get3A_9] : memref<2x10112x128xf32, #tpu.memory_space<vmem>>, vector<1x10112x128xf32>
    %get3A_11 = vector.shape_cast %get3A_10 : vector<1x10112x128xf32> to vector<10112x128xf32>
    %add3A = arith.addf %get3A_6, %get3A_11 : vector<10112x128xf32>
    %get3A_12 = arith.constant 0 : index
    %get3A_13 = arith.constant 0 : index
    %get3A_14 = vector.load %arg1[%get3A_12, %get3A_13] : memref<10112x128xf32, #tpu.memory_space<vmem>>, vector<10112x128xf32>
    %add3A_15 = arith.addf %add3A, %get3A_14 : vector<10112x128xf32>
    %mul3A = vector.broadcast %slice3A : vector<10112x1xf32> to vector<10112x128xf32>
    %mul3A_16 = arith.mulf %add3A_15, %mul3A : vector<10112x128xf32>
    %get3A_17 = arith.constant 0 : index
    %get3A_18 = arith.constant 0 : index
    %get3A_19 = vector.load %arg3[%get3A_17, %get3A_18] : memref<1x128xf32, #tpu.memory_space<vmem>>, vector<1x128xf32>
    %add3A_20 = vector.broadcast %get3A_19 : vector<1x128xf32> to vector<10112x128xf32>
    %add3A_21 = arith.addf %mul3A_16, %add3A_20 : vector<10112x128xf32>
    %iota3A = tpu.iota {dimensions = array<i32: 0>} : vector<10112x1xi32>
    %lt3A = arith.constant 10000 : i32
    %lt3A_22 = vector.broadcast %lt3A : i32 to vector<10112x1xi32>
    %lt3A_23 = arith.cmpi slt, %iota3A, %lt3A_22 : vector<10112x1xi32>
    %convert_element_type3A = arith.extui %lt3A_23 : vector<10112x1xi1> to vector<10112x1xi32>
    %convert_element_type3A_24 = arith.sitofp %convert_element_type3A : vector<10112x1xi32> to vector<10112x1xf32>
    %mul3A_25 = vector.broadcast %convert_element_type3A_24 : vector<10112x1xf32> to vector<10112x128xf32>
    %mul3A_26 = arith.mulf %add3A_21, %mul3A_25 : vector<10112x128xf32>
    %reduce_sum3A = arith.constant dense<0.000000e+00> : vector<128xf32>
    %reduce_sum3A_27 = vector.multi_reduction <add>, %mul3A_26, %reduce_sum3A [0] : vector<10112x128xf32> to vector<128xf32>
    %broadcast_in_dim3A = vector.shape_cast %reduce_sum3A_27 : vector<128xf32> to vector<1x128xf32>
    %mul3A_28 = arith.constant 9.99999974E-5 : f32
    %mul3A_29 = vector.broadcast %mul3A_28 : f32 to vector<1x128xf32>
    %mul3A_30 = arith.mulf %broadcast_in_dim3A, %mul3A_29 : vector<1x128xf32>
    %mul3A_31 = arith.mulf %add3A_21, %add3A_21 : vector<10112x128xf32>
    %mul3A_32 = vector.broadcast %convert_element_type3A_24 : vector<10112x1xf32> to vector<10112x128xf32>
    %mul3A_33 = arith.mulf %mul3A_31, %mul3A_32 : vector<10112x128xf32>
    %reduce_sum3A_34 = arith.constant dense<0.000000e+00> : vector<128xf32>
    %reduce_sum3A_35 = vector.multi_reduction <add>, %mul3A_33, %reduce_sum3A_34 [0] : vector<10112x128xf32> to vector<128xf32>
    %broadcast_in_dim3A_36 = vector.shape_cast %reduce_sum3A_35 : vector<128xf32> to vector<1x128xf32>
    %mul3A_37 = arith.constant 9.99999974E-5 : f32
    %mul3A_38 = vector.broadcast %mul3A_37 : f32 to vector<1x128xf32>
    %mul3A_39 = arith.mulf %broadcast_in_dim3A_36, %mul3A_38 : vector<1x128xf32>
    %mul3A_40 = arith.mulf %mul3A_30, %mul3A_30 : vector<1x128xf32>
    %sub3A = arith.subf %mul3A_39, %mul3A_40 : vector<1x128xf32>
    %sub3A_41 = vector.broadcast %mul3A_30 : vector<1x128xf32> to vector<10112x128xf32>
    %sub3A_42 = arith.subf %add3A_21, %sub3A_41 : vector<10112x128xf32>
    %add3A_43 = arith.constant 9.99999974E-6 : f32
    %add3A_44 = vector.broadcast %add3A_43 : f32 to vector<1x128xf32>
    %add3A_45 = arith.addf %sub3A, %add3A_44 : vector<1x128xf32>
    %rsqrt3A = math.rsqrt %add3A_45 : vector<1x128xf32>
    %mul3A_46 = vector.broadcast %rsqrt3A : vector<1x128xf32> to vector<10112x128xf32>
    %mul3A_47 = arith.mulf %sub3A_42, %mul3A_46 : vector<10112x128xf32>
    %get3A_48 = arith.constant 0 : index
    %get3A_49 = arith.constant 0 : index
    %get3A_50 = vector.load %arg4[%get3A_48, %get3A_49] : memref<1x128xf32, #tpu.memory_space<vmem>>, vector<1x128xf32>
    %mul3A_51 = vector.broadcast %get3A_50 : vector<1x128xf32> to vector<10112x128xf32>
    %mul3A_52 = arith.mulf %mul3A_47, %mul3A_51 : vector<10112x128xf32>
    %get3A_53 = arith.constant 0 : index
    %get3A_54 = arith.constant 0 : index
    %get3A_55 = vector.load %arg5[%get3A_53, %get3A_54] : memref<1x128xf32, #tpu.memory_space<vmem>>, vector<1x128xf32>
    %add3A_56 = vector.broadcast %get3A_55 : vector<1x128xf32> to vector<10112x128xf32>
    %add3A_57 = arith.addf %mul3A_52, %add3A_56 : vector<10112x128xf32>
    %gt3A = arith.constant 0.000000e+00 : f32
    %gt3A_58 = vector.broadcast %gt3A : f32 to vector<10112x128xf32>
    %gt3A_59 = arith.cmpf ogt, %add3A_57, %gt3A_58 : vector<10112x128xf32>
    %exp3A = math.exp %add3A_57 : vector<10112x128xf32>
    %sub3A_60 = arith.constant 1.000000e+00 : f32
    %sub3A_61 = vector.broadcast %sub3A_60 : f32 to vector<10112x128xf32>
    %sub3A_62 = arith.subf %exp3A, %sub3A_61 : vector<10112x128xf32>
    %select_n3A = arith.select %gt3A_59, %add3A_57, %sub3A_62 : vector<10112x128xi1>, vector<10112x128xf32>
    %mul3A_63 = vector.broadcast %convert_element_type3A_24 : vector<10112x1xf32> to vector<10112x128xf32>
    %mul3A_64 = arith.mulf %select_n3A, %mul3A_63 : vector<10112x128xf32>
    %get3A_65 = arith.constant 0 : index
    %get3A_66 = arith.constant 0 : index
    %get3A_67 = vector.load %arg6[%get3A_65, %get3A_66] : memref<128x128xf32, #tpu.memory_space<vmem>>, vector<128x128xf32>
    %dot_general3A = arith.constant dense<0.000000e+00> : vector<10112x128xf32>
    %dot_general3A_68 = tpu.matmul %mul3A_64, %get3A_67, %dot_general3A {dimension_numbers = #tpu.dot_dimension_numbers<[1], [0], [0], [1], [0, 0, 1, 1], [], []>, transpose_lhs_hint = false} : vector<10112x128xf32>, vector<128x128xf32>, vector<10112x128xf32> -> vector<10112x128xf32>
    %mul3A_69 = vector.broadcast %slice3A : vector<10112x1xf32> to vector<10112x128xf32>
    %mul3A_70 = arith.mulf %dot_general3A_68, %mul3A_69 : vector<10112x128xf32>
    %swap3A = arith.constant 0 : index
    %swap3A_71 = arith.constant 0 : index
    %swap3A_72 = vector.load %arg7[%swap3A, %swap3A_71] : memref<10112x128xf32, #tpu.memory_space<vmem>>, vector<10112x128xf32>
    tpu.vector_store %arg7[%swap3A, %swap3A_71], %mul3A_70 {strides = array<i32>} : memref<10112x128xf32, #tpu.memory_space<vmem>>, vector<10112x128xf32>,
    return
  }
}

module attributes {stable_mosaic.version = 14 : i64} {
  func.func @_tc_post_body(%arg0: memref<2x10112x128xf32, #tpu.memory_space<vmem>>, %arg1: memref<10112x128xf32, #tpu.memory_space<vmem>>, %arg2: memref<10112x16xf32, #tpu.memory_space<vmem>>, %arg3: memref<1x128xf32, #tpu.memory_space<vmem>>, %arg4: memref<1x128xf32, #tpu.memory_space<vmem>>, %arg5: memref<1x128xf32, #tpu.memory_space<vmem>>, %arg6: memref<10112x1xi32, #tpu.memory_space<vmem>>, %arg7: memref<64x128xf32, #tpu.memory_space<vmem>>) attributes {dimension_semantics = [], scalar_prefetch = 0 : i64, scratch_operands = 0 : i64, tpu.core_type = #tpu.core_type<tc>} {
    %get3A = arith.constant 0 : index
    %get3A_0 = arith.constant 0 : index
    %get3A_1 = vector.load %arg2[%get3A, %get3A_0] : memref<10112x16xf32, #tpu.memory_space<vmem>>, vector<10112x16xf32>
    %slice3A = vector.extract_strided_slice %get3A_1 {offsets = [0, 0], sizes = [10112, 1], strides = [1, 1]} : vector<10112x16xf32> to vector<10112x1xf32>
    %get3A_2 = arith.constant 0 : index
    %get3A_3 = arith.constant 0 : index
    %get3A_4 = arith.constant 0 : index
    %get3A_5 = vector.load %arg0[%get3A_2, %get3A_3, %get3A_4] : memref<2x10112x128xf32, #tpu.memory_space<vmem>>, vector<1x10112x128xf32>
    %get3A_6 = vector.shape_cast %get3A_5 : vector<1x10112x128xf32> to vector<10112x128xf32>
    %get3A_7 = arith.constant 1 : index
    %get3A_8 = arith.constant 0 : index
    %get3A_9 = arith.constant 0 : index
    %get3A_10 = vector.load %arg0[%get3A_7, %get3A_8, %get3A_9] : memref<2x10112x128xf32, #tpu.memory_space<vmem>>, vector<1x10112x128xf32>
    %get3A_11 = vector.shape_cast %get3A_10 : vector<1x10112x128xf32> to vector<10112x128xf32>
    %add3A = arith.addf %get3A_6, %get3A_11 : vector<10112x128xf32>
    %get3A_12 = arith.constant 0 : index
    %get3A_13 = arith.constant 0 : index
    %get3A_14 = vector.load %arg1[%get3A_12, %get3A_13] : memref<10112x128xf32, #tpu.memory_space<vmem>>, vector<10112x128xf32>
    %add3A_15 = arith.addf %add3A, %get3A_14 : vector<10112x128xf32>
    %mul3A = vector.broadcast %slice3A : vector<10112x1xf32> to vector<10112x128xf32>
    %mul3A_16 = arith.mulf %add3A_15, %mul3A : vector<10112x128xf32>
    %get3A_17 = arith.constant 0 : index
    %get3A_18 = arith.constant 0 : index
    %get3A_19 = vector.load %arg3[%get3A_17, %get3A_18] : memref<1x128xf32, #tpu.memory_space<vmem>>, vector<1x128xf32>
    %add3A_20 = vector.broadcast %get3A_19 : vector<1x128xf32> to vector<10112x128xf32>
    %add3A_21 = arith.addf %mul3A_16, %add3A_20 : vector<10112x128xf32>
    %iota3A = tpu.iota {dimensions = array<i32: 0>} : vector<10112x1xi32>
    %lt3A = arith.constant 10000 : i32
    %lt3A_22 = vector.broadcast %lt3A : i32 to vector<10112x1xi32>
    %lt3A_23 = arith.cmpi slt, %iota3A, %lt3A_22 : vector<10112x1xi32>
    %convert_element_type3A = arith.extui %lt3A_23 : vector<10112x1xi1> to vector<10112x1xi32>
    %convert_element_type3A_24 = arith.sitofp %convert_element_type3A : vector<10112x1xi32> to vector<10112x1xf32>
    %mul3A_25 = vector.broadcast %convert_element_type3A_24 : vector<10112x1xf32> to vector<10112x128xf32>
    %mul3A_26 = arith.mulf %add3A_21, %mul3A_25 : vector<10112x128xf32>
    %reduce_sum3A = arith.constant dense<0.000000e+00> : vector<128xf32>
    %reduce_sum3A_27 = vector.multi_reduction <add>, %mul3A_26, %reduce_sum3A [0] : vector<10112x128xf32> to vector<128xf32>
    %broadcast_in_dim3A = vector.shape_cast %reduce_sum3A_27 : vector<128xf32> to vector<1x128xf32>
    %mul3A_28 = arith.constant 9.99999974E-5 : f32
    %mul3A_29 = vector.broadcast %mul3A_28 : f32 to vector<1x128xf32>
    %mul3A_30 = arith.mulf %broadcast_in_dim3A, %mul3A_29 : vector<1x128xf32>
    %mul3A_31 = arith.mulf %add3A_21, %add3A_21 : vector<10112x128xf32>
    %mul3A_32 = vector.broadcast %convert_element_type3A_24 : vector<10112x1xf32> to vector<10112x128xf32>
    %mul3A_33 = arith.mulf %mul3A_31, %mul3A_32 : vector<10112x128xf32>
    %reduce_sum3A_34 = arith.constant dense<0.000000e+00> : vector<128xf32>
    %reduce_sum3A_35 = vector.multi_reduction <add>, %mul3A_33, %reduce_sum3A_34 [0] : vector<10112x128xf32> to vector<128xf32>
    %broadcast_in_dim3A_36 = vector.shape_cast %reduce_sum3A_35 : vector<128xf32> to vector<1x128xf32>
    %mul3A_37 = arith.constant 9.99999974E-5 : f32
    %mul3A_38 = vector.broadcast %mul3A_37 : f32 to vector<1x128xf32>
    %mul3A_39 = arith.mulf %broadcast_in_dim3A_36, %mul3A_38 : vector<1x128xf32>
    %mul3A_40 = arith.mulf %mul3A_30, %mul3A_30 : vector<1x128xf32>
    %sub3A = arith.subf %mul3A_39, %mul3A_40 : vector<1x128xf32>
    %sub3A_41 = vector.broadcast %mul3A_30 : vector<1x128xf32> to vector<10112x128xf32>
    %sub3A_42 = arith.subf %add3A_21, %sub3A_41 : vector<10112x128xf32>
    %add3A_43 = arith.constant 9.99999974E-6 : f32
    %add3A_44 = vector.broadcast %add3A_43 : f32 to vector<1x128xf32>
    %add3A_45 = arith.addf %sub3A, %add3A_44 : vector<1x128xf32>
    %rsqrt3A = math.rsqrt %add3A_45 : vector<1x128xf32>
    %mul3A_46 = vector.broadcast %rsqrt3A : vector<1x128xf32> to vector<10112x128xf32>
    %mul3A_47 = arith.mulf %sub3A_42, %mul3A_46 : vector<10112x128xf32>
    %get3A_48 = arith.constant 0 : index
    %get3A_49 = arith.constant 0 : index
    %get3A_50 = vector.load %arg4[%get3A_48, %get3A_49] : memref<1x128xf32, #tpu.memory_space<vmem>>, vector<1x128xf32>
    %mul3A_51 = vector.broadcast %get3A_50 : vector<1x128xf32> to vector<10112x128xf32>
    %mul3A_52 = arith.mulf %mul3A_47, %mul3A_51 : vector<10112x128xf32>
    %get3A_53 = arith.constant 0 : index
    %get3A_54 = arith.constant 0 : index
    %get3A_55 = vector.load %arg5[%get3A_53, %get3A_54] : memref<1x128xf32, #tpu.memory_space<vmem>>, vector<1x128xf32>
    %add3A_56 = vector.broadcast %get3A_55 : vector<1x128xf32> to vector<10112x128xf32>
    %add3A_57 = arith.addf %mul3A_52, %add3A_56 : vector<10112x128xf32>
    %gt3A = arith.constant 0.000000e+00 : f32
    %gt3A_58 = vector.broadcast %gt3A : f32 to vector<10112x128xf32>
    %gt3A_59 = arith.cmpf ogt, %add3A_57, %gt3A_58 : vector<10112x128xf32>
    %exp3A = math.exp %add3A_57 : vector<10112x128xf32>
    %sub3A_60 = arith.constant 1.000000e+00 : f32
    %sub3A_61 = vector.broadcast %sub3A_60 : f32 to vector<10112x128xf32>
    %sub3A_62 = arith.subf %exp3A, %sub3A_61 : vector<10112x128xf32>
    %select_n3A = arith.select %gt3A_59, %add3A_57, %sub3A_62 : vector<10112x128xi1>, vector<10112x128xf32>
    %mul3A_63 = vector.broadcast %convert_element_type3A_24 : vector<10112x1xf32> to vector<10112x128xf32>
    %mul3A_64 = arith.mulf %select_n3A, %mul3A_63 : vector<10112x128xf32>
    %get3A_65 = arith.constant 0 : index
    %get3A_66 = arith.constant 0 : index
    %get3A_67 = vector.load %arg6[%get3A_65, %get3A_66] : memref<10112x1xi32, #tpu.memory_space<vmem>>, vector<10112x1xi32>
    %iota3A_68 = tpu.iota {dimensions = array<i32: 1>} : vector<10112x64xi32>
    %eq3A = vector.broadcast %get3A_67 : vector<10112x1xi32> to vector<10112x64xi32>
    %eq3A_69 = arith.cmpi eq, %eq3A, %iota3A_68 : vector<10112x64xi32>
    %convert_element_type3A_70 = arith.extui %eq3A_69 : vector<10112x64xi1> to vector<10112x64xi32>
    %convert_element_type3A_71 = arith.sitofp %convert_element_type3A_70 : vector<10112x64xi32> to vector<10112x64xf32>
    %dot_general3A = arith.constant dense<0.000000e+00> : vector<64x128xf32>
    %dot_general3A_72 = tpu.matmul %convert_element_type3A_71, %mul3A_64, %dot_general3A {dimension_numbers = #tpu.dot_dimension_numbers<[0], [0], [1], [1], [0, 1, 1, 1], [], []>, transpose_lhs_hint = false} : vector<10112x64xf32>, vector<10112x128xf32>, vector<64x128xf32> -> vector<64x128xf32>
    %broadcast_in_dim3A_73 = arith.constant 1.000000e+00 : f32
    %broadcast_in_dim3A_74 = vector.broadcast %broadcast_in_dim3A_73 : f32 to vector<10112x1xf32>
    %dot_general3A_75 = arith.constant dense<0.000000e+00> : vector<64x1xf32>
    %dot_general3A_76 = tpu.matmul %convert_element_type3A_71, %broadcast_in_dim3A_74, %dot_general3A_75 {dimension_numbers = #tpu.dot_dimension_numbers<[0], [0], [1], [1], [0, 1, 1, 1], [], []>, transpose_lhs_hint = false} : vector<10112x64xf32>, vector<10112x1xf32>, vector<64x1xf32> -> vector<64x1xf32>
    %max3A = arith.constant 1.000000e+00 : f32
    %max3A_77 = vector.broadcast %max3A : f32 to vector<64x1xf32>
    %max3A_78 = arith.maximumf %dot_general3A_76, %max3A_77 : vector<64x1xf32>
    %div3A = vector.broadcast %max3A_78 : vector<64x1xf32> to vector<64x128xf32>
    %div3A_79 = arith.divf %dot_general3A_72, %div3A : vector<64x128xf32>
    %swap3A = arith.constant 0 : index
    %swap3A_80 = arith.constant 0 : index
    %swap3A_81 = vector.load %arg7[%swap3A, %swap3A_80] : memref<64x128xf32, #tpu.memory_space<vmem>>, vector<64x128xf32>
    tpu.vector_store %arg7[%swap3A, %swap3A_80], %div3A_79 {strides = array<i32>} : memref<64x128xf32, #tpu.memory_space<vmem>>, vector<64x128xf32>,
    return
  }
}

</mosaic_0001>

<sc_bundles>
// kernel: kernel.10.cloned.1.call-start
scs
__scs_entry_jumppad:
0x0: {  	(pc) =	sbr.rel $0x88, $3  }
0x1: {  	(tag) =	ssettag $0x0;
	lr =	simm.s32 $0x1  }
0x2: {  	[smem:$0x3F92] =	sst lr;
	_ =	strace $0xD0000000  }
0x3: {  	_ = 	snop  }
0x4: {  	_ = 	snop  }
0x5: {  	_ = 	snop  }
0x6: {  	_ = 	snop  }
0x7: {  	_ = 	snop  }
__scs_overlays_trampoline_lowered:
0x8: {  	[smem:$0x3FA1] =	sst s0  }
0x9: {  	[smem:$0x3FA2] =	sst s1  }
0xa: {  	[smem:$0x3FA3] =	sst s2  }
0xb: {  	[smem:$0x3FA4] =	sst s3  }
0xc: {  	[smem:$0x3FA5] =	sst s4  }
0xd: {  	[smem:$0x3FA6] =	sst s5  }
0xe: {  	[smem:$0x3FA7] =	sst s6  }
0xf: {  	[smem:$0x3FA8] =	sst s7  }
0x10: {  	[smem:$0x3FA9] =	sst s8  }
0x11: {  	[smem:$0x3FAA] =	sst s9;
	s0 =	simm.s32 @!p0 $0x0  }
0x12: {  	s1 =	sld [smem:$0x3F90];
	s0 =	simm.s32 @p0 $0x1  }
0x13: {  	[smem:$0x3FAB] =	sst s0;
	s0 =	simm.s32 @!p1 $0x0  }
0x14: {  	s2 =	sld [smem:$0x3F8F];
	s0 =	simm.s32 @p1 $0x1  }
0x15: {  	[smem:$0x3FAC] =	sst s0;
	s0 =	simm.s32 @!p2 $0x0  }
0x16: {  	s3 =	sld [smem:$0x3FDB];
	s0 =	simm.s32 @p2 $0x1  }
0x17: {  	s4 =	simm.s32 $0x1BF5;
	[smem:$0x3FAE] =	sst s0  }
0x18: {  	s0 =	sld [smem:$0x3F91];
	_ =	swait.ge [sflag:s4], $0x0  }
0x19: {  	s7 =	sld [smem:$0x3F92]  }
0x1a: {  	s8 =	sadd.s32 $0xFFFFE003, lr  }
0x1b: {  	s9 =	sadd.s32 $0xFFFFFEF7, lr;
	s5 =	simm.s32 $0xFFFFFFFF;
	p2 =	slt.u32 s8, $0xFFFFF086  }
0x1c: {  	p1 =	slt.u32 s9, $0xF7A;
	s5 =	simm.s32 @!p2 $0x0  }
0x1d: {  	s5 =	simm.s32 @p1 $0x1;
	p0 =	seq.s32 s7, s2  }
0x1e: {  	s7 =	smul.u32 @!p0 $0xF7A, s2;
	p2 =	seq.s32 @!p0 s5, $0x0  }
0x1f: {  	s9 =	smul.u32 $0xF7A, s1;
	s8 =	simm.s32 @!p0 $0x1BF5;
	p2 =	por !p2, p0  }
0x20: {  	[sflag:s8] =	ssyncset.s32 @!p0 $0xFFFFF086;
	s6 =	sadd.s32 @!p0 s3, s7;
	s7 =	simm.s32 @!p0 $0x108  }
0x21: {  	s3 =	sadd.s32 s3, s9;
	s6 =	sadd.s32 @!p0 $0x88, s6;
	s7 =	simm.s32 @p2 $0x1082  }
0x22: {  	[simem:s7], [sflag:s8] =	dma.local @!p0 [hbm:s6], $0xF7A  }
0x23: {  	s9 =	sor.u32 $0xD0000000, s2;
	s6 =	simm.s32 $0x108;
	_ =	swait.ge @!p0 [sflag:s8], $0x0  }
0x24: {  	s3 =	sadd.s32 $0x88, s3;
	s6 =	simm.s32 @!p1 $0x1082;
	[sflag:s4] =	ssyncset.s32 $0xFFFFF086  }
0x25: {  	[simem:s6], [sflag:s4] =	dma.local [hbm:s3], $0xF7A  }
0x26: {  	[smem:$0x3F92] =	sst s1;
	(tag) =	ssettag s2;
	_ =	strace s9  }
0x27: {  	s1 =	sld [smem:$0x3FA2]  }
0x28: {  	s2 =	sld [smem:$0x3FA3]  }
0x29: {  	s4 =	sld [smem:$0x3FA5]  }
0x2a: {  	p0 =	seq.s32 s5, $0x0;
	s5 =	sld [smem:$0x3FA6]  }
0x2b: {  	s6 =	sld [smem:$0x3FA7]  }
0x2c: {  	s7 =	sld [smem:$0x3FA8]  }
0x2d: {  	s3 =	simm.s32 $0x108;
	s8 =	sld [smem:$0x3FA9]  }
0x2e: {  	s3 =	simm.s32 @!p0 $0x1082;
	s9 =	sld [smem:$0x3FAA]  }
0x2f: {  	lr =	sadd.s32 s0, s3;
	s0 =	sld [smem:$0x3FA1]  }
0x30: {  	s3 =	sld [smem:$0x3FA4]  }
0x31: {  	[smem:$0x3FAD] =	sst s10  }
0x32: {  	s10 =	sld [smem:$0x3FAB];
	_ =	sdelay $0x3  }
0x33: {  	p0 =	seq.s32 s10, $0x1;
	s10 =	sld [smem:$0x3FAD];
	_ =	sdelay $0x3  }
0x34: {  	[smem:$0x3FAD] =	sst s10  }
0x35: {  	s10 =	sld [smem:$0x3FAC];
	_ =	sdelay $0x3  }
0x36: {  	p1 =	seq.s32 s10, $0x1;
	s10 =	sld [smem:$0x3FAD];
	_ =	sdelay $0x3  }
0x37: {  	[smem:$0x3FAD] =	sst s10  }
0x38: {  	s10 =	sld [smem:$0x3FAE]  }
0x39: {  	_ = 	snop;
	(pc) =	sbr.ind lr, $3  }
0x3a: {  	_ = 	snop  }
0x3b: {  	_ = 	snop  }
0x3c: {  	p2 =	seq.s32 s10, $0x1;
	s10 =	sld [smem:$0x3FAD]  }
0x3d: {  	_ =	shalt  }
0x3e: {  	_ =	shalt  }
0x3f: {  	_ =	shalt  }
0x40: {  	_ =	shalt  }
0x41: {  	_ =	shalt  }
0x42: {  	_ =	shalt  }
0x43: {  	_ =	shalt  }
0x44: {  	_ =	shalt  }
0x45: {  	_ =	shalt  }
0x46: {  	_ =	shalt  }
0x47: {  	_ =	shalt  }
0x48: {  	_ =	shalt  }
0x49: {  	_ =	shalt  }
0x4a: {  	_ =	shalt  }
0x4b: {  	_ =	shalt  }
0x4c: {  	_ =	shalt  }
0x4d: {  	_ =	shalt  }
0x4e: {  	_ =	shalt  }
0x4f: {  	_ =	shalt  }
0x50: {  	_ =	shalt  }
0x51: {  	_ =	shalt  }
0x52: {  	_ =	shalt  }
0x53: {  	_ =	shalt  }
0x54: {  	_ =	shalt  }
0x55: {  	_ =	shalt  }
0x56: {  	_ =	shalt  }
0x57: {  	_ =	shalt  }
0x58: {  	_ =	shalt  }
0x59: {  	_ =	shalt  }
0x5a: {  	_ =	shalt  }
0x5b: {  	_ =	shalt  }
0x5c: {  	_ =	shalt  }
0x5d: {  	_ =	shalt  }
0x5e: {  	_ =	shalt  }
0x5f: {  	_ =	shalt  }
0x60: {  	_ =	shalt  }
0x61: {  	_ =	shalt  }
0x62: {  	_ =	shalt  }
0x63: {  	_ =	shalt  }
0x64: {  	_ =	shalt  }
0x65: {  	_ =	shalt  }
0x66: {  	_ =	shalt  }
0x67: {  	_ =	shalt  }
0x68: {  	_ =	shalt  }
0x69: {  	_ =	shalt  }
0x6a: {  	_ =	shalt  }
0x6b: {  	_ =	shalt  }
0x6c: {  	_ =	shalt  }
0x6d: {  	_ =	shalt  }
0x6e: {  	_ =	shalt  }
0x6f: {  	_ =	shalt  }
0x70: {  	_ =	shalt  }
0x71: {  	_ =	shalt  }
0x72: {  	_ =	shalt  }
0x73: {  	_ =	shalt  }
0x74: {  	_ =	shalt  }
0x75: {  	_ =	shalt  }
0x76: {  	_ =	shalt  }
0x77: {  	_ =	shalt  }
0x78: {  	_ =	shalt  }
0x79: {  	_ =	shalt  }
0x7a: {  	_ =	shalt  }
0x7b: {  	_ =	shalt  }
0x7c: {  	_ =	shalt  }
0x7d: {  	_ =	shalt  }
0x7e: {  	_ =	shalt  }
0x7f: {  	_ =	shalt  }
0x80: {  	_ =	shalt  }
0x81: {  	_ =	shalt  }
0x82: {  	_ =	shalt  }
0x83: {  	_ =	shalt  }
0x84: {  	_ =	shalt  }
0x85: {  	_ =	shalt  }
0x86: {  	_ =	shalt  }
0x87: {  	_ =	shalt  }
.Lfunc_end0:
.L_simem_size_0:
called_computation_lowered:
.L_overlay_start_0:
0x88: {  	s2 =	sld [smem:$0x3FD9]  }
0x89: {  	s3 =	sld [smem:$0x3FFE];
	_ =	sdelay $0x1  }
0x8a: {  	s1 =	srdreg.scid  }
0x8b: {  	s0 =	sand.u32 $0x1, s1  }
0x8c: {  	s16 =	sshll.u32 s0, $0xA;
	s2 =	sadd.s32 s3, s2  }
0x8d: {  	s2 =	sadd.s32 s2, s16  }
0x8e: {  	[smem:$0x3FB9] =	sst s2  }
0x8f: {  	_ = 	snop  }
0x90: {  	(tm) =	ssettm $0x1  }
0x91: {  	s17 =	sld [smem:$0x3FFB];
	_ =	sdelay $0x3  }
0x92: {  	_ =	strace s17  }
0x93: {  	s2 =	sld [smem:$0x3FFC];
	_ =	sdelay $0x3  }
0x94: {  	_ =	strace s2  }
0x95: {  	s2 =	sld [smem:$0x3FFD];
	_ =	sdelay $0x3  }
0x96: {  	_ =	strace s2  }
0x97: {  	_ =	strace $0x8FFFFFFF  }
0x98: {  	s18 =	sld [smem:$0x3FDB];
	_ =	sdelay $0x1  }
0x99: {  	s19 =	simm.s32 $_scs_section_size  }
0x9a: {  	s4 =	simm.s32 $_size__tile_overlayer_lowered;
	s5 =	simm.s32 $_tile_overlayer_lowered  }
0x9b: {  	s22 =	simm.s32 $0x1BFF;
	s21 =	sshll.u32 s5, $0x1;
	s2 =	sadd.s32 s19, s18  }
0x9c: {  	s6 =	simm.s32 $0x0;
	s20 =	sshll.u32 s4, $0x1;
	s4 =	sadd.s32 s21, s2  }
0x9d: {  	[timem:s6], [sflag:s22] =	dma.local [hbm:s4], s20  }
0x9e: {  	_ =	swait.ge [sflag:s22], s20  }
0x9f: {  	s3 =	ssub.s32 $0x0, s20;
	[sflag:s22] =	ssyncset.done $0x0  }
0xa0: {  	[sflag:s22] =	ssyncadd.s32 s3;
	_ =	sdelay $0x1  }
0xa1: {  	s23 =	simm.s32 $0x1B8B  }
0xa2: {  	_ =	swait.ge [sflag:s23], $0x1  }
0xa3: {  	[sflag:s23] =	ssyncset.done $0x0  }
0xa4: {  	s25 =	simm.s32 $0x1B8E;
	s24 =	sld [smem:$0x3FFE];
	[sflag:s23] =	ssyncadd.s32 $0xFFFFFFFF  }
0xa5: {  	s26 =	simm.s32 $execute0_lowered;
	[smem:$0x3FD2] =	sst s25  }
0xa6: {  	s4 =	sshll.u32 s26, $0x1;
	_ =	strace $0x80000046;
	[dreg:$0x1] =	wrdreg $0xFFFFFFFF  }
0xa7: {  	s28 =	simm.s32 $_size_execute0_lowered;
	s2 =	sadd.s32 s2, s4;
	[dreg:$0x0] =	wrdreg $0x0  }
0xa8: {  	s4 =	sshll.u32 s28, $0x1;
	[dreg:$0x2] =	wrdreg s2  }
0xa9: {  	[dreg:$0x3] =	wrdreg s4  }
0xaa: {  	[dreg:$0x4] =	wrdreg $0xC0  }
0xab: {  	_ =	task [dreg:s6], $0x5FFFF  }
0xac: {  	[dreg:$0x1] =	wrdreg $0xFFFFFFFF  }
0xad: {  	[dreg:$0x0] =	wrdreg $0x60  }
0xae: {  	[dreg:$0x2] =	wrdreg s24  }
0xaf: {  	[dreg:$0x3] =	wrdreg $0x68000  }
0xb0: {  	[dreg:$0x4] =	wrdreg $0x9  }
0xb1: {  	_ =	task.clear_ibuf [dreg:s6], $0x5FFFF;
	_ =	strace $0x90000046  }
0xb2: {  	s29 =	simm.s32 $0x9;
	_ =	strace $0x80000048  }
0xb3: {  	_ =	swait.ge [sflag:s29], $0x1  }
0xb4: {  	[sflag:s29] =	ssyncadd.s32 $0xFFFFFFFF  }
0xb5: {  	_ =	strace $0x90000048  }
0xb6: {  	_ =	sfence  }
0xb7: {  	s30 =	sld [smem:$0x0];
	_ =	sdelay $0x2  }
0xb8: {  	s31 =	sshll.u32 s1, $0xD;
	s1 =	sshrl.u32 s1, $0x2  }
0xb9: {  	s3 =	sand.u32 $0x4000, s31;
	s1 =	sadd.s32 s1, s30  }
0xba: {  	s0 =	sor.u32 s3, s0;
	s1 =	sshll.u32 s1, $0x11  }
0xbb: {  	s0 =	sor.u32 s1, s0  }
0xbc: {  	s0 =	sadd.s32 $0x8F2B, s0  }
0xbd: {  	[sflag:s0] =	ssyncadd.remote.s32 $0x1  }
0xbe: {  	_ =	sfence.sel $0xFFFF  }
0xbf: {  	[dreg:$0x0] =	wrdreg $0xFFFFFFFF;
	(pc) =	sbr.abs _section_cstart, $3  }
0xc0: {  	[dreg:$0x1] =	wrdreg $0xFFFFFFFF  }
0xc1: {  	_ =	task.clear_ibuf [dreg:s6], $0x2FFFF;
	_ =	strace $0x9FFFFFFF  }
0xc2: {  	(tm) =	ssettm $0x7FFFFFFF  }
0xc3: {  	_ =	shalt  }
tec
execute0_lowered:
.L_overlay_start_1:
0x0: {  	(tag) =	ssettag $0x1  }
0x1: {  	s0 =	srdreg.scid;
	s5 =	rddreg [dreg:$0x0]  }
0x2: {  	s2 =	rddreg [dreg:$0x1];
	s4 =	sand.u32 $0x1, s0;
	s0 =	stileid.u32  }
0x3: {  	s3 =	simm.s32 $0x0;
	s13 =	simm.s32 $0x80;
	s7 =	smul.u32 $0x13C00, s0  }
0x4: {  	s14 =	simm.s32 $0x0;
	[smem:$0x7FF] =	sst s3;
	s9 =	smul.u32 $0x13C000, s4  }
0x5: {  	s1 =	sshll.u32 s4, $0x4;
	s30 =	ssub.s32 $0x2, s4;
	s10 =	smul.u32 $0x4F000, s0  }
0x6: {  	s4 =	sadd.s32 $0x35000, s5;
	s31 =	sshll.u32 s0, $0x6;
	s6 =	sor.u32 s0, s1  }
0x7: {  	s1 =	rddreg [dreg:$0x2];
	_ =	strace $0x80000047;
	s11 =	sshrl.u32 s30, $0x1  }
0x8: {  	s6 =	smul.u32 $0x500, s6;
	s8 =	sshrl.u32 s7, $0x3;
	s7 =	sadd.s32 s7, s9  }
0x9: {  	s9 =	ssub.s32 s30, s11;
	s10 =	sshrl.u32 s10, $0x2;
	s11 =	sor.u32 $0x1C01, s31  }
0xa: {  	s8 =	sadd.s32 s8, s5;
	s7 =	sshrl.u32 s7, $0x3;
	s12 =	sadd.s32 s10, s2  }
0xb: {  	s10 =	simm.s32 $0x2800;
	s6 =	sadd.s32 s6, s5;
	s7 =	sadd.s32 s7, s5  }
0xc: {  	s12 =	sshrl.u32 s12, $0x3;
	s5 =	sadd.s32 $0x3800, s6;
	s6 =	sadd.s32 $0xD800, s8  }
0xd: {  	s7 =	sadd.s32 $0x35800, s7;
	s8 =	smax.u32 s9, $0x1;
	s9 =	simm.s32 $0x1  }
.LBB2_1:
0xe: {  	[tilespmem:s3], [sflag:$0x1] =	stream.linear.gather [hbm4b:s5+s3], $0x2800, $0x38;
	[tilespmem:$0x1A400] =	vst v63  }
0xf: {  	_ =	swait.ge [sflag:s9], $0x2800  }
0x10: {  	[sflag:s9] =	ssyncset.done $0x0  }
0x11: {  	[sflag:s9] =	ssyncadd.s32 $0xFFFFD800  }
0x12: {  	[tilespmem:s10], [sflag:$0x1] =	stream.linear.gather [hbm4b:s4+s3], $0x4000, $0x38;
	[tilespmem:$0x1A400] =	vst v63  }
0x13: {  	_ =	swait.ge [sflag:s9], $0x4000  }
0x14: {  	[sflag:s9] =	ssyncset.done $0x0  }
0x15: {  	[sflag:s9] =	ssyncadd.s32 $0xFFFFC000  }
0x16: {  	[spmem:s12], [sflag:s11] =	dma.local [hbm:s6], $0x2780  }
0x17: {  	_ =	swait.ge [sflag:s9], $0x2780  }
0x18: {  	[sflag:s9] =	ssyncset.done $0x0  }
0x19: {  	[sflag:s9] =	ssyncadd.s32 $0xFFFFD880  }
0x1a: {  	s15 =	simm.s32 $0x0;
	[bflag:$0x0] =	sbarrier.arrive $0xFFFF  }
0x1b: {  	[spmem:s2] =	stream.indirect.scatter.add.f32 [tilespmem:s10], [sflag:$0x1], $0x80, s15, s13, $0xb8;
	[tilespmem:$0x1A400] =	vst v63  }
0x1c: {  	_ =	swait.ge [sflag:s9], $0x4000  }
0x1d: {  	s15 =	simm.s32 $0x200;
	[sflag:s9] =	ssyncset.done $0x0  }
.LBB2_2:
0x1e: {  	s16 =	sshra.s32 s15, $0x2;
	[sflag:s9] =	ssyncadd.s32 $0xFFFFC000;
	p0 =	sne.s32 s15, $0x9E00  }
0x1f: {  	[spmem:s2] =	stream.indirect.scatter.add.f32 [tilespmem:s10], [sflag:$0x1], $0x80, s16, s13, $0xb8;
	[tilespmem:$0x1A400] =	vst v63  }
.Ltmp0:
0x20: {  	_ = 	snop;
	(pc) =	sbr.rel @p0 .LBB2_2-.Ltmp0, $4  }
0x21: {  	_ = 	snop  }
0x22: {  	s15 =	sadd.s32 $0x200, s15  }
0x23: {  	_ =	swait.ge [sflag:s9], $0x4000  }
0x24: {  	[sflag:s9] =	ssyncset.done $0x0  }
0x25: {  	s14 =	sadd.s32 $0x1, s14  }
0x26: {  	[sflag:s9] =	ssyncadd.s32 $0xFFFFC000;
	p0 =	sne.s32 s14, s8  }
.Ltmp1:
0x27: {  	[bflag:$0x0] =	sbarrier.arrive $0xFFFF;
	(pc) =	sbr.rel @p0 .LBB2_1-.Ltmp1, $4  }
0x28: {  	[hbm:s7], [sflag:s11] =	dma.local [spmem:s12], $0x2780  }
0x29: {  	_ =	swait.ge [sflag:s9], $0x2780  }
0x2a: {  	[sflag:s9] =	ssyncset.done $0x0  }
0x2b: {  	[sflag:s9] =	ssyncadd.s32 $0xFFFFD880  }
0x2c: {  	_ =	sfence.sel $0x180000  }
0x2d: {  	[bflag:$0x0] =	sbarrier.arrive $0xFFFF  }
0x2e: {  	p0 =	sne.s32 s0, $0x0;
	_ =	strace $0x90000047  }
0x2f: {  	s0 =	sadd.s32 @!p0 $0x100000, s1;
	[bflag:$0x2] =	sbarrier.arrive $0xFFFF  }
0x30: {  	[sflag:s0] =	ssyncadd.tile.s32 @!p0 $0x1;
	_ =	shalt  }
.Lfunc_end2:
_tile_overlayer_lowered:
.L_overlay_start_2:
0x31: {  	(tag) =	ssettag $0x2  }
0x32: {  	s0 =	rddreg [dreg:$0x0];
	s2 =	stileid.u32  }
0x33: {  	s1 =	rddreg [dreg:$0x1];
	p0 =	sne.s32 s2, $0x0  }
0x34: {  	s3 =	rddreg [dreg:$0x2];
	[bflag:$0x3] =	sbarrier.arrive $0xFFFF;
	s2 =	simm.s32 @!p0 $0x1C01  }
0x35: {  	[timem:s3], [sflag:s2] =	dma.local @!p0 [hbm:s0], s1  }
0x36: {  	s0 =	simm.s32 @!p0 $0x1  }
0x37: {  	_ =	swait.ge @!p0 [sflag:s0], s1  }
0x38: {  	s1 =	ssub.s32 @!p0 $0x0, s1;
	[sflag:s0] =	ssyncset.done @!p0 $0x0  }
0x39: {  	[sflag:s0] =	ssyncadd.s32 @!p0 s1  }
0x3a: {  	[bflag:$0x3] =	sbarrier.arrive $0xFFFF  }
0x3b: {  	_ =	shalt  }

// kernel: kernel.13.cloned.1.call-start
scs
__scs_entry_jumppad:
0x0: {  	(pc) =	sbr.rel $0x88, $3  }
0x1: {  	(tag) =	ssettag $0x0;
	lr =	simm.s32 $0x1  }
0x2: {  	[smem:$0x3F92] =	sst lr;
	_ =	strace $0xD0000000  }
0x3: {  	_ = 	snop  }
0x4: {  	_ = 	snop  }
0x5: {  	_ = 	snop  }
0x6: {  	_ = 	snop  }
0x7: {  	_ = 	snop  }
__scs_overlays_trampoline_lowered:
0x8: {  	[smem:$0x3FA1] =	sst s0  }
0x9: {  	[smem:$0x3FA2] =	sst s1  }
0xa: {  	[smem:$0x3FA3] =	sst s2  }
0xb: {  	[smem:$0x3FA4] =	sst s3  }
0xc: {  	[smem:$0x3FA5] =	sst s4  }
0xd: {  	[smem:$0x3FA6] =	sst s5  }
0xe: {  	[smem:$0x3FA7] =	sst s6  }
0xf: {  	[smem:$0x3FA8] =	sst s7  }
0x10: {  	[smem:$0x3FA9] =	sst s8  }
0x11: {  	[smem:$0x3FAA] =	sst s9;
	s0 =	simm.s32 @!p0 $0x0  }
0x12: {  	s1 =	sld [smem:$0x3F90];
	s0 =	simm.s32 @p0 $0x1  }
0x13: {  	[smem:$0x3FAB] =	sst s0;
	s0 =	simm.s32 @!p1 $0x0  }
0x14: {  	s2 =	sld [smem:$0x3F8F];
	s0 =	simm.s32 @p1 $0x1  }
0x15: {  	[smem:$0x3FAC] =	sst s0;
	s0 =	simm.s32 @!p2 $0x0  }
0x16: {  	s3 =	sld [smem:$0x3FDB];
	s0 =	simm.s32 @p2 $0x1  }
0x17: {  	s4 =	simm.s32 $0x1BF5;
	[smem:$0x3FAE] =	sst s0  }
0x18: {  	s0 =	sld [smem:$0x3F91];
	_ =	swait.ge [sflag:s4], $0x0  }
0x19: {  	s7 =	sld [smem:$0x3F92]  }
0x1a: {  	s8 =	sadd.s32 $0xFFFFE003, lr  }
0x1b: {  	s9 =	sadd.s32 $0xFFFFFEF7, lr;
	s5 =	simm.s32 $0xFFFFFFFF;
	p2 =	slt.u32 s8, $0xFFFFF086  }
0x1c: {  	p1 =	slt.u32 s9, $0xF7A;
	s5 =	simm.s32 @!p2 $0x0  }
0x1d: {  	s5 =	simm.s32 @p1 $0x1;
	p0 =	seq.s32 s7, s2  }
0x1e: {  	s7 =	smul.u32 @!p0 $0xF7A, s2;
	p2 =	seq.s32 @!p0 s5, $0x0  }
0x1f: {  	s9 =	smul.u32 $0xF7A, s1;
	s8 =	simm.s32 @!p0 $0x1BF5;
	p2 =	por !p2, p0  }
0x20: {  	[sflag:s8] =	ssyncset.s32 @!p0 $0xFFFFF086;
	s6 =	sadd.s32 @!p0 s3, s7;
	s7 =	simm.s32 @!p0 $0x108  }
0x21: {  	s3 =	sadd.s32 s3, s9;
	s6 =	sadd.s32 @!p0 $0x88, s6;
	s7 =	simm.s32 @p2 $0x1082  }
0x22: {  	[simem:s7], [sflag:s8] =	dma.local @!p0 [hbm:s6], $0xF7A  }
0x23: {  	s9 =	sor.u32 $0xD0000000, s2;
	s6 =	simm.s32 $0x108;
	_ =	swait.ge @!p0 [sflag:s8], $0x0  }
0x24: {  	s3 =	sadd.s32 $0x88, s3;
	s6 =	simm.s32 @!p1 $0x1082;
	[sflag:s4] =	ssyncset.s32 $0xFFFFF086  }
0x25: {  	[simem:s6], [sflag:s4] =	dma.local [hbm:s3], $0xF7A  }
0x26: {  	[smem:$0x3F92] =	sst s1;
	(tag) =	ssettag s2;
	_ =	strace s9  }
0x27: {  	s1 =	sld [smem:$0x3FA2]  }
0x28: {  	s2 =	sld [smem:$0x3FA3]  }
0x29: {  	s4 =	sld [smem:$0x3FA5]  }
0x2a: {  	p0 =	seq.s32 s5, $0x0;
	s5 =	sld [smem:$0x3FA6]  }
0x2b: {  	s6 =	sld [smem:$0x3FA7]  }
0x2c: {  	s7 =	sld [smem:$0x3FA8]  }
0x2d: {  	s3 =	simm.s32 $0x108;
	s8 =	sld [smem:$0x3FA9]  }
0x2e: {  	s3 =	simm.s32 @!p0 $0x1082;
	s9 =	sld [smem:$0x3FAA]  }
0x2f: {  	lr =	sadd.s32 s0, s3;
	s0 =	sld [smem:$0x3FA1]  }
0x30: {  	s3 =	sld [smem:$0x3FA4]  }
0x31: {  	[smem:$0x3FAD] =	sst s10  }
0x32: {  	s10 =	sld [smem:$0x3FAB];
	_ =	sdelay $0x3  }
0x33: {  	p0 =	seq.s32 s10, $0x1;
	s10 =	sld [smem:$0x3FAD];
	_ =	sdelay $0x3  }
0x34: {  	[smem:$0x3FAD] =	sst s10  }
0x35: {  	s10 =	sld [smem:$0x3FAC];
	_ =	sdelay $0x3  }
0x36: {  	p1 =	seq.s32 s10, $0x1;
	s10 =	sld [smem:$0x3FAD];
	_ =	sdelay $0x3  }
0x37: {  	[smem:$0x3FAD] =	sst s10  }
0x38: {  	s10 =	sld [smem:$0x3FAE]  }
0x39: {  	_ = 	snop;
	(pc) =	sbr.ind lr, $3  }
0x3a: {  	_ = 	snop  }
0x3b: {  	_ = 	snop  }
0x3c: {  	p2 =	seq.s32 s10, $0x1;
	s10 =	sld [smem:$0x3FAD]  }
0x3d: {  	_ =	shalt  }
0x3e: {  	_ =	shalt  }
0x3f: {  	_ =	shalt  }
0x40: {  	_ =	shalt  }
0x41: {  	_ =	shalt  }
0x42: {  	_ =	shalt  }
0x43: {  	_ =	shalt  }
0x44: {  	_ =	shalt  }
0x45: {  	_ =	shalt  }
0x46: {  	_ =	shalt  }
0x47: {  	_ =	shalt  }
0x48: {  	_ =	shalt  }
0x49: {  	_ =	shalt  }
0x4a: {  	_ =	shalt  }
0x4b: {  	_ =	shalt  }
0x4c: {  	_ =	shalt  }
0x4d: {  	_ =	shalt  }
0x4e: {  	_ =	shalt  }
0x4f: {  	_ =	shalt  }
0x50: {  	_ =	shalt  }
0x51: {  	_ =	shalt  }
0x52: {  	_ =	shalt  }
0x53: {  	_ =	shalt  }
0x54: {  	_ =	shalt  }
0x55: {  	_ =	shalt  }
0x56: {  	_ =	shalt  }
0x57: {  	_ =	shalt  }
0x58: {  	_ =	shalt  }
0x59: {  	_ =	shalt  }
0x5a: {  	_ =	shalt  }
0x5b: {  	_ =	shalt  }
0x5c: {  	_ =	shalt  }
0x5d: {  	_ =	shalt  }
0x5e: {  	_ =	shalt  }
0x5f: {  	_ =	shalt  }
0x60: {  	_ =	shalt  }
0x61: {  	_ =	shalt  }
0x62: {  	_ =	shalt  }
0x63: {  	_ =	shalt  }
0x64: {  	_ =	shalt  }
0x65: {  	_ =	shalt  }
0x66: {  	_ =	shalt  }
0x67: {  	_ =	shalt  }
0x68: {  	_ =	shalt  }
0x69: {  	_ =	shalt  }
0x6a: {  	_ =	shalt  }
0x6b: {  	_ =	shalt  }
0x6c: {  	_ =	shalt  }
0x6d: {  	_ =	shalt  }
0x6e: {  	_ =	shalt  }
0x6f: {  	_ =	shalt  }
0x70: {  	_ =	shalt  }
0x71: {  	_ =	shalt  }
0x72: {  	_ =	shalt  }
0x73: {  	_ =	shalt  }
0x74: {  	_ =	shalt  }
0x75: {  	_ =	shalt  }
0x76: {  	_ =	shalt  }
0x77: {  	_ =	shalt  }
0x78: {  	_ =	shalt  }
0x79: {  	_ =	shalt  }
0x7a: {  	_ =	shalt  }
0x7b: {  	_ =	shalt  }
0x7c: {  	_ =	shalt  }
0x7d: {  	_ =	shalt  }
0x7e: {  	_ =	shalt  }
0x7f: {  	_ =	shalt  }
0x80: {  	_ =	shalt  }
0x81: {  	_ =	shalt  }
0x82: {  	_ =	shalt  }
0x83: {  	_ =	shalt  }
0x84: {  	_ =	shalt  }
0x85: {  	_ =	shalt  }
0x86: {  	_ =	shalt  }
0x87: {  	_ =	shalt  }
.Lfunc_end0:
.L_simem_size_0:
called_computation.1_lowered:
.L_overlay_start_0:
0x88: {  	s2 =	sld [smem:$0x3FD9]  }
0x89: {  	s3 =	sld [smem:$0x3FFE];
	_ =	sdelay $0x1  }
0x8a: {  	s1 =	srdreg.scid  }
0x8b: {  	s0 =	sand.u32 $0x1, s1  }
0x8c: {  	s16 =	sshll.u32 s0, $0xA;
	s2 =	sadd.s32 s3, s2  }
0x8d: {  	s2 =	sadd.s32 s2, s16  }
0x8e: {  	[smem:$0x3FB9] =	sst s2  }
0x8f: {  	_ = 	snop  }
0x90: {  	(tm) =	ssettm $0x1  }
0x91: {  	s17 =	sld [smem:$0x3FFB];
	_ =	sdelay $0x3  }
0x92: {  	_ =	strace s17  }
0x93: {  	s2 =	sld [smem:$0x3FFC];
	_ =	sdelay $0x3  }
0x94: {  	_ =	strace s2  }
0x95: {  	s2 =	sld [smem:$0x3FFD];
	_ =	sdelay $0x3  }
0x96: {  	_ =	strace s2  }
0x97: {  	_ =	strace $0x8FFFFFFF  }
0x98: {  	s18 =	sld [smem:$0x3FDB];
	_ =	sdelay $0x1  }
0x99: {  	s19 =	simm.s32 $_scs_section_size  }
0x9a: {  	s4 =	simm.s32 $_size__tile_overlayer_lowered;
	s5 =	simm.s32 $_tile_overlayer_lowered  }
0x9b: {  	s22 =	simm.s32 $0x1BFF;
	s21 =	sshll.u32 s5, $0x1;
	s2 =	sadd.s32 s19, s18  }
0x9c: {  	s6 =	simm.s32 $0x0;
	s20 =	sshll.u32 s4, $0x1;
	s4 =	sadd.s32 s21, s2  }
0x9d: {  	[timem:s6], [sflag:s22] =	dma.local [hbm:s4], s20  }
0x9e: {  	_ =	swait.ge [sflag:s22], s20  }
0x9f: {  	s3 =	ssub.s32 $0x0, s20;
	[sflag:s22] =	ssyncset.done $0x0  }
0xa0: {  	[sflag:s22] =	ssyncadd.s32 s3;
	_ =	sdelay $0x1  }
0xa1: {  	s23 =	simm.s32 $0x1B8B  }
0xa2: {  	_ =	swait.ge [sflag:s23], $0x1  }
0xa3: {  	[sflag:s23] =	ssyncset.done $0x0  }
0xa4: {  	s25 =	simm.s32 $0x1B8E;
	s24 =	sld [smem:$0x3FFE];
	[sflag:s23] =	ssyncadd.s32 $0xFFFFFFFF  }
0xa5: {  	s26 =	simm.s32 $execute0_lowered;
	[smem:$0x3FD2] =	sst s25  }
0xa6: {  	s4 =	sshll.u32 s26, $0x1;
	_ =	strace $0x80000049;
	[dreg:$0x1] =	wrdreg $0xFFFFFFFF  }
0xa7: {  	s28 =	simm.s32 $_size_execute0_lowered;
	s2 =	sadd.s32 s2, s4;
	[dreg:$0x0] =	wrdreg $0x0  }
0xa8: {  	s4 =	sshll.u32 s28, $0x1;
	[dreg:$0x2] =	wrdreg s2  }
0xa9: {  	[dreg:$0x3] =	wrdreg s4  }
0xaa: {  	[dreg:$0x4] =	wrdreg $0xC0  }
0xab: {  	_ =	task [dreg:s6], $0x5FFFF  }
0xac: {  	[dreg:$0x1] =	wrdreg $0xFFFFFFFF  }
0xad: {  	[dreg:$0x0] =	wrdreg $0x60  }
0xae: {  	[dreg:$0x2] =	wrdreg s24  }
0xaf: {  	[dreg:$0x3] =	wrdreg $0x90000  }
0xb0: {  	[dreg:$0x4] =	wrdreg $0x9  }
0xb1: {  	_ =	task.clear_ibuf [dreg:s6], $0x5FFFF;
	_ =	strace $0x90000049  }
0xb2: {  	s29 =	simm.s32 $0x9;
	_ =	strace $0x8000004B  }
0xb3: {  	_ =	swait.ge [sflag:s29], $0x1  }
0xb4: {  	[sflag:s29] =	ssyncadd.s32 $0xFFFFFFFF  }
0xb5: {  	_ =	strace $0x9000004B  }
0xb6: {  	_ =	sfence  }
0xb7: {  	s30 =	sld [smem:$0x0];
	_ =	sdelay $0x2  }
0xb8: {  	s31 =	sshll.u32 s1, $0xD;
	s1 =	sshrl.u32 s1, $0x2  }
0xb9: {  	s3 =	sand.u32 $0x4000, s31;
	s1 =	sadd.s32 s1, s30  }
0xba: {  	s0 =	sor.u32 s3, s0;
	s1 =	sshll.u32 s1, $0x11  }
0xbb: {  	s0 =	sor.u32 s1, s0  }
0xbc: {  	s0 =	sadd.s32 $0x8F2B, s0  }
0xbd: {  	[sflag:s0] =	ssyncadd.remote.s32 $0x1  }
0xbe: {  	_ =	sfence.sel $0xFFFF  }
0xbf: {  	[dreg:$0x0] =	wrdreg $0xFFFFFFFF;
	(pc) =	sbr.abs _section_cstart, $3  }
0xc0: {  	[dreg:$0x1] =	wrdreg $0xFFFFFFFF  }
0xc1: {  	_ =	task.clear_ibuf [dreg:s6], $0x2FFFF;
	_ =	strace $0x9FFFFFFF  }
0xc2: {  	(tm) =	ssettm $0x7FFFFFFF  }
0xc3: {  	_ =	shalt  }
tec
execute0_lowered:
.L_overlay_start_1:
0x0: {  	(tag) =	ssettag $0x1  }
0x1: {  	s0 =	srdreg.scid;
	s6 =	rddreg [dreg:$0x0]  }
0x2: {  	s2 =	rddreg [dreg:$0x1];
	s3 =	simm.s32 $0x0;
	s14 =	simm.s32 $0x80  }
0x3: {  	s15 =	simm.s32 $0x5000;
	s5 =	sand.u32 $0x1, s0;
	s0 =	stileid.u32  }
0x4: {  	s16 =	simm.s32 $0x1;
	s17 =	simm.s32 $0x0;
	s8 =	smul.u32 $0x13C00, s0  }
0x5: {  	[smem:$0x7FF] =	sst s3;
	s1 =	sshll.u32 s5, $0x4;
	s9 =	smul.u32 $0x13C000, s5  }
0x6: {  	s5 =	ssub.s32 $0x2, s5;
	s31 =	smul.u32 $0x4F000, s0;
	s12 =	sshll.u32 s0, $0x6  }
0x7: {  	s4 =	sor.u32 s0, s1;
	s1 =	rddreg [dreg:$0x2];
	_ =	strace $0x8000004A  }
0x8: {  	s11 =	sshrl.u32 s5, $0x1;
	s12 =	sor.u32 $0x1C02, s12;
	s7 =	smul.u32 $0x500, s4  }
0x9: {  	s4 =	sadd.s32 $0x35000, s6;
	s10 =	sshrl.u32 s8, $0x3;
	s8 =	sadd.s32 s8, s9  }
0xa: {  	s11 =	ssub.s32 s5, s11;
	s9 =	sshrl.u32 s31, $0x2;
	s10 =	sadd.s32 s10, s6  }
0xb: {  	s8 =	sshrl.u32 s8, $0x3;
	s13 =	sadd.s32 s9, s2;
	s9 =	smax.u32 s11, $0x1  }
0xc: {  	s11 =	simm.s32 $0x2800;
	s7 =	sadd.s32 s7, s6;
	s8 =	sadd.s32 s8, s6  }
0xd: {  	s13 =	sshrl.u32 s13, $0x3;
	s5 =	sadd.s32 $0x84800, s7;
	s6 =	sadd.s32 $0x3800, s7  }
0xe: {  	s7 =	sadd.s32 $0xD800, s10;
	s8 =	sadd.s32 $0x8E800, s8;
	s10 =	simm.s32 $0x2  }
.LBB2_1:
0xf: {  	[tilespmem:s3], [sflag:$0x2] =	stream.linear.gather [hbm4b:s5+s3], $0x2800, $0x38;
	[tilespmem:$0x1CC00] =	vst v63  }
0x10: {  	_ =	swait.ge [sflag:s10], $0x2800  }
0x11: {  	[sflag:s10] =	ssyncset.done $0x0  }
0x12: {  	[sflag:s10] =	ssyncadd.s32 $0xFFFFD800  }
0x13: {  	[tilespmem:s11], [sflag:$0x2] =	stream.linear.gather [hbm4b:s6+s3], $0x2800, $0x38;
	[tilespmem:$0x1CC00] =	vst v63  }
0x14: {  	_ =	swait.ge [sflag:s10], $0x2800  }
0x15: {  	[sflag:s10] =	ssyncset.done $0x0  }
0x16: {  	[sflag:s10] =	ssyncadd.s32 $0xFFFFD800  }
0x17: {  	[spmem:s13], [sflag:s12] =	dma.local [hbm:s7], $0x2780  }
0x18: {  	_ =	swait.ge [sflag:s10], $0x2780  }
0x19: {  	[sflag:s10] =	ssyncset.done $0x0  }
0x1a: {  	[sflag:s10] =	ssyncadd.s32 $0xFFFFD880  }
0x1b: {  	s18 =	simm.s32 $0x0;
	[bflag:$0x0] =	sbarrier.arrive $0xFFFF  }
0x1c: {  	[tilespmem:s15], [sflag:$0x1] =	stream.indirect.gather [hbm4b:s4+s14], $0x80, s18, s14, $0xb8;
	[tilespmem:$0x1CC00] =	vst v63  }
0x1d: {  	_ =	swait.ge [sflag:s16], $0x4000  }
0x1e: {  	[sflag:s16] =	ssyncset.done $0x0  }
0x1f: {  	s31 =	simm.s32 $0x2800;
	[sflag:s16] =	ssyncadd.s32 $0xFFFFC000  }
0x20: {  	[spmem:s2] =	stream.indirect.scatter.add.f32 [tilespmem:s15], [sflag:$0x2], $0x80, s31, s14, $0xb8;
	[tilespmem:$0x1CC00] =	vst v63  }
0x21: {  	_ =	swait.ge [sflag:s10], $0x4000  }
0x22: {  	s19 =	simm.s32 $0x400;
	s18 =	simm.s32 $0x200;
	[sflag:s10] =	ssyncset.done $0x0  }
.LBB2_2:
0x23: {  	s20 =	sshra.s32 s18, $0x2  }
0x24: {  	[sflag:s10] =	ssyncadd.s32 $0xFFFFC000;
	s18 =	smov.u32 s19;
	s21 =	sadd.s32 $0x200, s19  }
0x25: {  	[tilespmem:s15], [sflag:$0x1] =	stream.indirect.gather [hbm4b:s4+s14], $0x80, s20, s14, $0xb8;
	[tilespmem:$0x1CC00] =	vst v63  }
0x26: {  	p0 =	sne.s32 s19, $0x9E00;
	_ =	swait.ge [sflag:s16], $0x4000  }
.Ltmp0:
0x27: {  	[sflag:s16] =	ssyncset.done $0x0;
	(pc) =	sbr.rel @p0 .LBB2_2-.Ltmp0, $4  }
0x28: {  	s19 =	sadd.s32 $0x2800, s20;
	[sflag:s16] =	ssyncadd.s32 $0xFFFFC000  }
0x29: {  	[spmem:s2] =	stream.indirect.scatter.add.f32 [tilespmem:s15], [sflag:$0x2], $0x80, s19, s14, $0xb8;
	[tilespmem:$0x1CC00] =	vst v63  }
0x2a: {  	_ =	swait.ge [sflag:s10], $0x4000  }
0x2b: {  	s19 =	smov.u32 s21;
	[sflag:s10] =	ssyncset.done $0x0  }
0x2c: {  	s18 =	sshra.s32 s18, $0x2;
	[sflag:s10] =	ssyncadd.s32 $0xFFFFC000  }
0x2d: {  	[tilespmem:s15], [sflag:$0x1] =	stream.indirect.gather [hbm4b:s4+s14], $0x80, s18, s14, $0xb8;
	[tilespmem:$0x1CC00] =	vst v63  }
0x2e: {  	_ =	swait.ge [sflag:s16], $0x4000  }
0x2f: {  	[sflag:s16] =	ssyncset.done $0x0  }
0x30: {  	s18 =	sadd.s32 $0x2800, s18;
	[sflag:s16] =	ssyncadd.s32 $0xFFFFC000  }
0x31: {  	[spmem:s2] =	stream.indirect.scatter.add.f32 [tilespmem:s15], [sflag:$0x2], $0x80, s18, s14, $0xb8;
	[tilespmem:$0x1CC00] =	vst v63  }
0x32: {  	_ =	swait.ge [sflag:s10], $0x4000  }
0x33: {  	s17 =	sadd.s32 $0x1, s17;
	[sflag:s10] =	ssyncset.done $0x0  }
0x34: {  	p0 =	sne.s32 s17, s9;
	[sflag:s10] =	ssyncadd.s32 $0xFFFFC000  }
.Ltmp1:
0x35: {  	[bflag:$0x0] =	sbarrier.arrive $0xFFFF;
	(pc) =	sbr.rel @p0 .LBB2_1-.Ltmp1, $4  }
0x36: {  	[hbm:s8], [sflag:s12] =	dma.local [spmem:s13], $0x2780  }
0x37: {  	_ =	swait.ge [sflag:s10], $0x2780  }
0x38: {  	[sflag:s10] =	ssyncset.done $0x0  }
0x39: {  	[sflag:s10] =	ssyncadd.s32 $0xFFFFD880  }
0x3a: {  	_ =	sfence.sel $0x180000  }
0x3b: {  	[bflag:$0x0] =	sbarrier.arrive $0xFFFF  }
0x3c: {  	p0 =	sne.s32 s0, $0x0;
	_ =	strace $0x9000004A  }
0x3d: {  	s0 =	sadd.s32 @!p0 $0x100000, s1;
	[bflag:$0x2] =	sbarrier.arrive $0xFFFF  }
0x3e: {  	[sflag:s0] =	ssyncadd.tile.s32 @!p0 $0x1;
	_ =	shalt  }
.Lfunc_end2:
_tile_overlayer_lowered:
.L_overlay_start_2:
0x3f: {  	(tag) =	ssettag $0x2  }
0x40: {  	s0 =	rddreg [dreg:$0x0];
	s2 =	stileid.u32  }
0x41: {  	s1 =	rddreg [dreg:$0x1];
	p0 =	sne.s32 s2, $0x0  }
0x42: {  	s3 =	rddreg [dreg:$0x2];
	[bflag:$0x3] =	sbarrier.arrive $0xFFFF;
	s2 =	simm.s32 @!p0 $0x1C02  }
0x43: {  	[timem:s3], [sflag:s2] =	dma.local @!p0 [hbm:s0], s1  }
0x44: {  	s0 =	simm.s32 @!p0 $0x2  }
0x45: {  	_ =	swait.ge @!p0 [sflag:s0], s1  }
0x46: {  	s1 =	ssub.s32 @!p0 $0x0, s1;
	[sflag:s0] =	ssyncset.done @!p0 $0x0  }
0x47: {  	[sflag:s0] =	ssyncadd.s32 @!p0 s1  }
0x48: {  	[bflag:$0x3] =	sbarrier.arrive $0xFFFF  }
0x49: {  	_ =	shalt  }

// kernel: kernel.16.cloned.1.call-start
scs
__scs_entry_jumppad:
0x0: {  	(pc) =	sbr.rel $0x88, $3  }
0x1: {  	(tag) =	ssettag $0x0;
	lr =	simm.s32 $0x1  }
0x2: {  	[smem:$0x3F92] =	sst lr;
	_ =	strace $0xD0000000  }
0x3: {  	_ = 	snop  }
0x4: {  	_ = 	snop  }
0x5: {  	_ = 	snop  }
0x6: {  	_ = 	snop  }
0x7: {  	_ = 	snop  }
__scs_overlays_trampoline_lowered:
0x8: {  	[smem:$0x3FA1] =	sst s0  }
0x9: {  	[smem:$0x3FA2] =	sst s1  }
0xa: {  	[smem:$0x3FA3] =	sst s2  }
0xb: {  	[smem:$0x3FA4] =	sst s3  }
0xc: {  	[smem:$0x3FA5] =	sst s4  }
0xd: {  	[smem:$0x3FA6] =	sst s5  }
0xe: {  	[smem:$0x3FA7] =	sst s6  }
0xf: {  	[smem:$0x3FA8] =	sst s7  }
0x10: {  	[smem:$0x3FA9] =	sst s8  }
0x11: {  	[smem:$0x3FAA] =	sst s9;
	s0 =	simm.s32 @!p0 $0x0  }
0x12: {  	s1 =	sld [smem:$0x3F90];
	s0 =	simm.s32 @p0 $0x1  }
0x13: {  	[smem:$0x3FAB] =	sst s0;
	s0 =	simm.s32 @!p1 $0x0  }
0x14: {  	s2 =	sld [smem:$0x3F8F];
	s0 =	simm.s32 @p1 $0x1  }
0x15: {  	[smem:$0x3FAC] =	sst s0;
	s0 =	simm.s32 @!p2 $0x0  }
0x16: {  	s3 =	sld [smem:$0x3FDB];
	s0 =	simm.s32 @p2 $0x1  }
0x17: {  	s4 =	simm.s32 $0x1BF5;
	[smem:$0x3FAE] =	sst s0  }
0x18: {  	s0 =	sld [smem:$0x3F91];
	_ =	swait.ge [sflag:s4], $0x0  }
0x19: {  	s7 =	sld [smem:$0x3F92]  }
0x1a: {  	s8 =	sadd.s32 $0xFFFFE003, lr  }
0x1b: {  	s9 =	sadd.s32 $0xFFFFFEF7, lr;
	s5 =	simm.s32 $0xFFFFFFFF;
	p2 =	slt.u32 s8, $0xFFFFF086  }
0x1c: {  	p1 =	slt.u32 s9, $0xF7A;
	s5 =	simm.s32 @!p2 $0x0  }
0x1d: {  	s5 =	simm.s32 @p1 $0x1;
	p0 =	seq.s32 s7, s2  }
0x1e: {  	s7 =	smul.u32 @!p0 $0xF7A, s2;
	p2 =	seq.s32 @!p0 s5, $0x0  }
0x1f: {  	s9 =	smul.u32 $0xF7A, s1;
	s8 =	simm.s32 @!p0 $0x1BF5;
	p2 =	por !p2, p0  }
0x20: {  	[sflag:s8] =	ssyncset.s32 @!p0 $0xFFFFF086;
	s6 =	sadd.s32 @!p0 s3, s7;
	s7 =	simm.s32 @!p0 $0x108  }
0x21: {  	s3 =	sadd.s32 s3, s9;
	s6 =	sadd.s32 @!p0 $0x88, s6;
	s7 =	simm.s32 @p2 $0x1082  }
0x22: {  	[simem:s7], [sflag:s8] =	dma.local @!p0 [hbm:s6], $0xF7A  }
0x23: {  	s9 =	sor.u32 $0xD0000000, s2;
	s6 =	simm.s32 $0x108;
	_ =	swait.ge @!p0 [sflag:s8], $0x0  }
0x24: {  	s3 =	sadd.s32 $0x88, s3;
	s6 =	simm.s32 @!p1 $0x1082;
	[sflag:s4] =	ssyncset.s32 $0xFFFFF086  }
0x25: {  	[simem:s6], [sflag:s4] =	dma.local [hbm:s3], $0xF7A  }
0x26: {  	[smem:$0x3F92] =	sst s1;
	(tag) =	ssettag s2;
	_ =	strace s9  }
0x27: {  	s1 =	sld [smem:$0x3FA2]  }
0x28: {  	s2 =	sld [smem:$0x3FA3]  }
0x29: {  	s4 =	sld [smem:$0x3FA5]  }
0x2a: {  	p0 =	seq.s32 s5, $0x0;
	s5 =	sld [smem:$0x3FA6]  }
0x2b: {  	s6 =	sld [smem:$0x3FA7]  }
0x2c: {  	s7 =	sld [smem:$0x3FA8]  }
0x2d: {  	s3 =	simm.s32 $0x108;
	s8 =	sld [smem:$0x3FA9]  }
0x2e: {  	s3 =	simm.s32 @!p0 $0x1082;
	s9 =	sld [smem:$0x3FAA]  }
0x2f: {  	lr =	sadd.s32 s0, s3;
	s0 =	sld [smem:$0x3FA1]  }
0x30: {  	s3 =	sld [smem:$0x3FA4]  }
0x31: {  	[smem:$0x3FAD] =	sst s10  }
0x32: {  	s10 =	sld [smem:$0x3FAB];
	_ =	sdelay $0x3  }
0x33: {  	p0 =	seq.s32 s10, $0x1;
	s10 =	sld [smem:$0x3FAD];
	_ =	sdelay $0x3  }
0x34: {  	[smem:$0x3FAD] =	sst s10  }
0x35: {  	s10 =	sld [smem:$0x3FAC];
	_ =	sdelay $0x3  }
0x36: {  	p1 =	seq.s32 s10, $0x1;
	s10 =	sld [smem:$0x3FAD];
	_ =	sdelay $0x3  }
0x37: {  	[smem:$0x3FAD] =	sst s10  }
0x38: {  	s10 =	sld [smem:$0x3FAE]  }
0x39: {  	_ = 	snop;
	(pc) =	sbr.ind lr, $3  }
0x3a: {  	_ = 	snop  }
0x3b: {  	_ = 	snop  }
0x3c: {  	p2 =	seq.s32 s10, $0x1;
	s10 =	sld [smem:$0x3FAD]  }
0x3d: {  	_ =	shalt  }
0x3e: {  	_ =	shalt  }
0x3f: {  	_ =	shalt  }
0x40: {  	_ =	shalt  }
0x41: {  	_ =	shalt  }
0x42: {  	_ =	shalt  }
0x43: {  	_ =	shalt  }
0x44: {  	_ =	shalt  }
0x45: {  	_ =	shalt  }
0x46: {  	_ =	shalt  }
0x47: {  	_ =	shalt  }
0x48: {  	_ =	shalt  }
0x49: {  	_ =	shalt  }
0x4a: {  	_ =	shalt  }
0x4b: {  	_ =	shalt  }
0x4c: {  	_ =	shalt  }
0x4d: {  	_ =	shalt  }
0x4e: {  	_ =	shalt  }
0x4f: {  	_ =	shalt  }
0x50: {  	_ =	shalt  }
0x51: {  	_ =	shalt  }
0x52: {  	_ =	shalt  }
0x53: {  	_ =	shalt  }
0x54: {  	_ =	shalt  }
0x55: {  	_ =	shalt  }
0x56: {  	_ =	shalt  }
0x57: {  	_ =	shalt  }
0x58: {  	_ =	shalt  }
0x59: {  	_ =	shalt  }
0x5a: {  	_ =	shalt  }
0x5b: {  	_ =	shalt  }
0x5c: {  	_ =	shalt  }
0x5d: {  	_ =	shalt  }
0x5e: {  	_ =	shalt  }
0x5f: {  	_ =	shalt  }
0x60: {  	_ =	shalt  }
0x61: {  	_ =	shalt  }
0x62: {  	_ =	shalt  }
0x63: {  	_ =	shalt  }
0x64: {  	_ =	shalt  }
0x65: {  	_ =	shalt  }
0x66: {  	_ =	shalt  }
0x67: {  	_ =	shalt  }
0x68: {  	_ =	shalt  }
0x69: {  	_ =	shalt  }
0x6a: {  	_ =	shalt  }
0x6b: {  	_ =	shalt  }
0x6c: {  	_ =	shalt  }
0x6d: {  	_ =	shalt  }
0x6e: {  	_ =	shalt  }
0x6f: {  	_ =	shalt  }
0x70: {  	_ =	shalt  }
0x71: {  	_ =	shalt  }
0x72: {  	_ =	shalt  }
0x73: {  	_ =	shalt  }
0x74: {  	_ =	shalt  }
0x75: {  	_ =	shalt  }
0x76: {  	_ =	shalt  }
0x77: {  	_ =	shalt  }
0x78: {  	_ =	shalt  }
0x79: {  	_ =	shalt  }
0x7a: {  	_ =	shalt  }
0x7b: {  	_ =	shalt  }
0x7c: {  	_ =	shalt  }
0x7d: {  	_ =	shalt  }
0x7e: {  	_ =	shalt  }
0x7f: {  	_ =	shalt  }
0x80: {  	_ =	shalt  }
0x81: {  	_ =	shalt  }
0x82: {  	_ =	shalt  }
0x83: {  	_ =	shalt  }
0x84: {  	_ =	shalt  }
0x85: {  	_ =	shalt  }
0x86: {  	_ =	shalt  }
0x87: {  	_ =	shalt  }
.Lfunc_end0:
.L_simem_size_0:
called_computation.2_lowered:
.L_overlay_start_0:
0x88: {  	s2 =	sld [smem:$0x3FD9]  }
0x89: {  	s3 =	sld [smem:$0x3FFE];
	_ =	sdelay $0x1  }
0x8a: {  	s1 =	srdreg.scid  }
0x8b: {  	s0 =	sand.u32 $0x1, s1  }
0x8c: {  	s16 =	sshll.u32 s0, $0xA;
	s2 =	sadd.s32 s3, s2  }
0x8d: {  	s2 =	sadd.s32 s2, s16  }
0x8e: {  	[smem:$0x3FB9] =	sst s2  }
0x8f: {  	_ = 	snop  }
0x90: {  	(tm) =	ssettm $0x1  }
0x91: {  	s17 =	sld [smem:$0x3FFB];
	_ =	sdelay $0x3  }
0x92: {  	_ =	strace s17  }
0x93: {  	s2 =	sld [smem:$0x3FFC];
	_ =	sdelay $0x3  }
0x94: {  	_ =	strace s2  }
0x95: {  	s2 =	sld [smem:$0x3FFD];
	_ =	sdelay $0x3  }
0x96: {  	_ =	strace s2  }
0x97: {  	_ =	strace $0x8FFFFFFF  }
0x98: {  	s18 =	sld [smem:$0x3FDB];
	_ =	sdelay $0x1  }
0x99: {  	s19 =	simm.s32 $_scs_section_size  }
0x9a: {  	s4 =	simm.s32 $_size__tile_overlayer_lowered;
	s5 =	simm.s32 $_tile_overlayer_lowered  }
0x9b: {  	s22 =	simm.s32 $0x1BFF;
	s21 =	sshll.u32 s5, $0x1;
	s2 =	sadd.s32 s19, s18  }
0x9c: {  	s6 =	simm.s32 $0x0;
	s20 =	sshll.u32 s4, $0x1;
	s4 =	sadd.s32 s21, s2  }
0x9d: {  	[timem:s6], [sflag:s22] =	dma.local [hbm:s4], s20  }
0x9e: {  	_ =	swait.ge [sflag:s22], s20  }
0x9f: {  	s3 =	ssub.s32 $0x0, s20;
	[sflag:s22] =	ssyncset.done $0x0  }
0xa0: {  	[sflag:s22] =	ssyncadd.s32 s3;
	_ =	sdelay $0x1  }
0xa1: {  	s23 =	simm.s32 $0x1B8B  }
0xa2: {  	_ =	swait.ge [sflag:s23], $0x1  }
0xa3: {  	[sflag:s23] =	ssyncset.done $0x0  }
0xa4: {  	s25 =	simm.s32 $0x1B8E;
	s24 =	sld [smem:$0x3FFE];
	[sflag:s23] =	ssyncadd.s32 $0xFFFFFFFF  }
0xa5: {  	s26 =	simm.s32 $execute0_lowered;
	[smem:$0x3FD2] =	sst s25  }
0xa6: {  	s4 =	sshll.u32 s26, $0x1;
	_ =	strace $0x8000004C;
	[dreg:$0x1] =	wrdreg $0xFFFFFFFF  }
0xa7: {  	s28 =	simm.s32 $_size_execute0_lowered;
	s2 =	sadd.s32 s2, s4;
	[dreg:$0x0] =	wrdreg $0x0  }
0xa8: {  	s4 =	sshll.u32 s28, $0x1;
	[dreg:$0x2] =	wrdreg s2  }
0xa9: {  	[dreg:$0x3] =	wrdreg s4  }
0xaa: {  	[dreg:$0x4] =	wrdreg $0xC0  }
0xab: {  	_ =	task [dreg:s6], $0x5FFFF  }
0xac: {  	[dreg:$0x1] =	wrdreg $0xFFFFFFFF  }
0xad: {  	[dreg:$0x0] =	wrdreg $0x60  }
0xae: {  	[dreg:$0x2] =	wrdreg s24  }
0xaf: {  	[dreg:$0x3] =	wrdreg $0x90000  }
0xb0: {  	[dreg:$0x4] =	wrdreg $0x9  }
0xb1: {  	_ =	task.clear_ibuf [dreg:s6], $0x5FFFF;
	_ =	strace $0x9000004C  }
0xb2: {  	s29 =	simm.s32 $0x9;
	_ =	strace $0x8000004E  }
0xb3: {  	_ =	swait.ge [sflag:s29], $0x1  }
0xb4: {  	[sflag:s29] =	ssyncadd.s32 $0xFFFFFFFF  }
0xb5: {  	_ =	strace $0x9000004E  }
0xb6: {  	_ =	sfence  }
0xb7: {  	s30 =	sld [smem:$0x0];
	_ =	sdelay $0x2  }
0xb8: {  	s31 =	sshll.u32 s1, $0xD;
	s1 =	sshrl.u32 s1, $0x2  }
0xb9: {  	s3 =	sand.u32 $0x4000, s31;
	s1 =	sadd.s32 s1, s30  }
0xba: {  	s0 =	sor.u32 s3, s0;
	s1 =	sshll.u32 s1, $0x11  }
0xbb: {  	s0 =	sor.u32 s1, s0  }
0xbc: {  	s0 =	sadd.s32 $0x8F2B, s0  }
0xbd: {  	[sflag:s0] =	ssyncadd.remote.s32 $0x1  }
0xbe: {  	_ =	sfence.sel $0xFFFF  }
0xbf: {  	[dreg:$0x0] =	wrdreg $0xFFFFFFFF;
	(pc) =	sbr.abs _section_cstart, $3  }
0xc0: {  	[dreg:$0x1] =	wrdreg $0xFFFFFFFF  }
0xc1: {  	_ =	task.clear_ibuf [dreg:s6], $0x2FFFF;
	_ =	strace $0x9FFFFFFF  }
0xc2: {  	(tm) =	ssettm $0x7FFFFFFF  }
0xc3: {  	_ =	shalt  }
tec
execute0_lowered:
.L_overlay_start_1:
0x0: {  	(tag) =	ssettag $0x1  }
0x1: {  	s0 =	srdreg.scid;
	s6 =	rddreg [dreg:$0x0]  }
0x2: {  	s2 =	rddreg [dreg:$0x1];
	s3 =	simm.s32 $0x0;
	s14 =	simm.s32 $0x80  }
0x3: {  	s15 =	simm.s32 $0x5000;
	s5 =	sand.u32 $0x1, s0;
	s0 =	stileid.u32  }
0x4: {  	s16 =	simm.s32 $0x1;
	s17 =	simm.s32 $0x0;
	s8 =	smul.u32 $0x13C00, s0  }
0x5: {  	[smem:$0x7FF] =	sst s3;
	s1 =	sshll.u32 s5, $0x4;
	s9 =	smul.u32 $0x13C000, s5  }
0x6: {  	s5 =	ssub.s32 $0x2, s5;
	s31 =	smul.u32 $0x4F000, s0;
	s12 =	sshll.u32 s0, $0x6  }
0x7: {  	s4 =	sor.u32 s0, s1;
	s1 =	rddreg [dreg:$0x2];
	_ =	strace $0x8000004D  }
0x8: {  	s11 =	sshrl.u32 s5, $0x1;
	s12 =	sor.u32 $0x1C02, s12;
	s7 =	smul.u32 $0x500, s4  }
0x9: {  	s4 =	sadd.s32 $0x35000, s6;
	s10 =	sshrl.u32 s8, $0x3;
	s8 =	sadd.s32 s8, s9  }
0xa: {  	s11 =	ssub.s32 s5, s11;
	s9 =	sshrl.u32 s31, $0x2;
	s10 =	sadd.s32 s10, s6  }
0xb: {  	s8 =	sshrl.u32 s8, $0x3;
	s13 =	sadd.s32 s9, s2;
	s9 =	smax.u32 s11, $0x1  }
0xc: {  	s11 =	simm.s32 $0x2800;
	s7 =	sadd.s32 s7, s6;
	s8 =	sadd.s32 s8, s6  }
0xd: {  	s13 =	sshrl.u32 s13, $0x3;
	s5 =	sadd.s32 $0x84800, s7;
	s6 =	sadd.s32 $0x3800, s7  }
0xe: {  	s7 =	sadd.s32 $0xD800, s10;
	s8 =	sadd.s32 $0x8E800, s8;
	s10 =	simm.s32 $0x2  }
.LBB2_1:
0xf: {  	[tilespmem:s3], [sflag:$0x2] =	stream.linear.gather [hbm4b:s5+s3], $0x2800, $0x38;
	[tilespmem:$0x1CC00] =	vst v63  }
0x10: {  	_ =	swait.ge [sflag:s10], $0x2800  }
0x11: {  	[sflag:s10] =	ssyncset.done $0x0  }
0x12: {  	[sflag:s10] =	ssyncadd.s32 $0xFFFFD800  }
0x13: {  	[tilespmem:s11], [sflag:$0x2] =	stream.linear.gather [hbm4b:s6+s3], $0x2800, $0x38;
	[tilespmem:$0x1CC00] =	vst v63  }
0x14: {  	_ =	swait.ge [sflag:s10], $0x2800  }
0x15: {  	[sflag:s10] =	ssyncset.done $0x0  }
0x16: {  	[sflag:s10] =	ssyncadd.s32 $0xFFFFD800  }
0x17: {  	[spmem:s13], [sflag:s12] =	dma.local [hbm:s7], $0x2780  }
0x18: {  	_ =	swait.ge [sflag:s10], $0x2780  }
0x19: {  	[sflag:s10] =	ssyncset.done $0x0  }
0x1a: {  	[sflag:s10] =	ssyncadd.s32 $0xFFFFD880  }
0x1b: {  	s18 =	simm.s32 $0x0;
	[bflag:$0x0] =	sbarrier.arrive $0xFFFF  }
0x1c: {  	[tilespmem:s15], [sflag:$0x1] =	stream.indirect.gather [hbm4b:s4+s14], $0x80, s18, s14, $0xb8;
	[tilespmem:$0x1CC00] =	vst v63  }
0x1d: {  	_ =	swait.ge [sflag:s16], $0x4000  }
0x1e: {  	[sflag:s16] =	ssyncset.done $0x0  }
0x1f: {  	s31 =	simm.s32 $0x2800;
	[sflag:s16] =	ssyncadd.s32 $0xFFFFC000  }
0x20: {  	[spmem:s2] =	stream.indirect.scatter.add.f32 [tilespmem:s15], [sflag:$0x2], $0x80, s31, s14, $0xb8;
	[tilespmem:$0x1CC00] =	vst v63  }
0x21: {  	_ =	swait.ge [sflag:s10], $0x4000  }
0x22: {  	s19 =	simm.s32 $0x400;
	s18 =	simm.s32 $0x200;
	[sflag:s10] =	ssyncset.done $0x0  }
.LBB2_2:
0x23: {  	s20 =	sshra.s32 s18, $0x2  }
0x24: {  	[sflag:s10] =	ssyncadd.s32 $0xFFFFC000;
	s18 =	smov.u32 s19;
	s21 =	sadd.s32 $0x200, s19  }
0x25: {  	[tilespmem:s15], [sflag:$0x1] =	stream.indirect.gather [hbm4b:s4+s14], $0x80, s20, s14, $0xb8;
	[tilespmem:$0x1CC00] =	vst v63  }
0x26: {  	p0 =	sne.s32 s19, $0x9E00;
	_ =	swait.ge [sflag:s16], $0x4000  }
.Ltmp0:
0x27: {  	[sflag:s16] =	ssyncset.done $0x0;
	(pc) =	sbr.rel @p0 .LBB2_2-.Ltmp0, $4  }
0x28: {  	s19 =	sadd.s32 $0x2800, s20;
	[sflag:s16] =	ssyncadd.s32 $0xFFFFC000  }
0x29: {  	[spmem:s2] =	stream.indirect.scatter.add.f32 [tilespmem:s15], [sflag:$0x2], $0x80, s19, s14, $0xb8;
	[tilespmem:$0x1CC00] =	vst v63  }
0x2a: {  	_ =	swait.ge [sflag:s10], $0x4000  }
0x2b: {  	s19 =	smov.u32 s21;
	[sflag:s10] =	ssyncset.done $0x0  }
0x2c: {  	s18 =	sshra.s32 s18, $0x2;
	[sflag:s10] =	ssyncadd.s32 $0xFFFFC000  }
0x2d: {  	[tilespmem:s15], [sflag:$0x1] =	stream.indirect.gather [hbm4b:s4+s14], $0x80, s18, s14, $0xb8;
	[tilespmem:$0x1CC00] =	vst v63  }
0x2e: {  	_ =	swait.ge [sflag:s16], $0x4000  }
0x2f: {  	[sflag:s16] =	ssyncset.done $0x0  }
0x30: {  	s18 =	sadd.s32 $0x2800, s18;
	[sflag:s16] =	ssyncadd.s32 $0xFFFFC000  }
0x31: {  	[spmem:s2] =	stream.indirect.scatter.add.f32 [tilespmem:s15], [sflag:$0x2], $0x80, s18, s14, $0xb8;
	[tilespmem:$0x1CC00] =	vst v63  }
0x32: {  	_ =	swait.ge [sflag:s10], $0x4000  }
0x33: {  	s17 =	sadd.s32 $0x1, s17;
	[sflag:s10] =	ssyncset.done $0x0  }
0x34: {  	p0 =	sne.s32 s17, s9;
	[sflag:s10] =	ssyncadd.s32 $0xFFFFC000  }
.Ltmp1:
0x35: {  	[bflag:$0x0] =	sbarrier.arrive $0xFFFF;
	(pc) =	sbr.rel @p0 .LBB2_1-.Ltmp1, $4  }
0x36: {  	[hbm:s8], [sflag:s12] =	dma.local [spmem:s13], $0x2780  }
0x37: {  	_ =	swait.ge [sflag:s10], $0x2780  }
0x38: {  	[sflag:s10] =	ssyncset.done $0x0  }
0x39: {  	[sflag:s10] =	ssyncadd.s32 $0xFFFFD880  }
0x3a: {  	_ =	sfence.sel $0x180000  }
0x3b: {  	[bflag:$0x0] =	sbarrier.arrive $0xFFFF  }
0x3c: {  	p0 =	sne.s32 s0, $0x0;
	_ =	strace $0x9000004D  }
0x3d: {  	s0 =	sadd.s32 @!p0 $0x100000, s1;
	[bflag:$0x2] =	sbarrier.arrive $0xFFFF  }
0x3e: {  	[sflag:s0] =	ssyncadd.tile.s32 @!p0 $0x1;
	_ =	shalt  }
.Lfunc_end2:
_tile_overlayer_lowered:
.L_overlay_start_2:
0x3f: {  	(tag) =	ssettag $0x2  }
0x40: {  	s0 =	rddreg [dreg:$0x0];
	s2 =	stileid.u32  }
0x41: {  	s1 =	rddreg [dreg:$0x1];
	p0 =	sne.s32 s2, $0x0  }
0x42: {  	s3 =	rddreg [dreg:$0x2];
	[bflag:$0x3] =	sbarrier.arrive $0xFFFF;
	s2 =	simm.s32 @!p0 $0x1C02  }
0x43: {  	[timem:s3], [sflag:s2] =	dma.local @!p0 [hbm:s0], s1  }
0x44: {  	s0 =	simm.s32 @!p0 $0x2  }
0x45: {  	_ =	swait.ge @!p0 [sflag:s0], s1  }
0x46: {  	s1 =	ssub.s32 @!p0 $0x0, s1;
	[sflag:s0] =	ssyncset.done @!p0 $0x0  }
0x47: {  	[sflag:s0] =	ssyncadd.s32 @!p0 s1  }
0x48: {  	[bflag:$0x3] =	sbarrier.arrive $0xFFFF  }
0x49: {  	_ =	shalt  }

// kernel: kernel.19.cloned.1.call-start
scs
__scs_entry_jumppad:
0x0: {  	(pc) =	sbr.rel $0x88, $3  }
0x1: {  	(tag) =	ssettag $0x0;
	lr =	simm.s32 $0x1  }
0x2: {  	[smem:$0x3F92] =	sst lr;
	_ =	strace $0xD0000000  }
0x3: {  	_ = 	snop  }
0x4: {  	_ = 	snop  }
0x5: {  	_ = 	snop  }
0x6: {  	_ = 	snop  }
0x7: {  	_ = 	snop  }
__scs_overlays_trampoline_lowered:
0x8: {  	[smem:$0x3FA1] =	sst s0  }
0x9: {  	[smem:$0x3FA2] =	sst s1  }
0xa: {  	[smem:$0x3FA3] =	sst s2  }
0xb: {  	[smem:$0x3FA4] =	sst s3  }
0xc: {  	[smem:$0x3FA5] =	sst s4  }
0xd: {  	[smem:$0x3FA6] =	sst s5  }
0xe: {  	[smem:$0x3FA7] =	sst s6  }
0xf: {  	[smem:$0x3FA8] =	sst s7  }
0x10: {  	[smem:$0x3FA9] =	sst s8  }
0x11: {  	[smem:$0x3FAA] =	sst s9;
	s0 =	simm.s32 @!p0 $0x0  }
0x12: {  	s1 =	sld [smem:$0x3F90];
	s0 =	simm.s32 @p0 $0x1  }
0x13: {  	[smem:$0x3FAB] =	sst s0;
	s0 =	simm.s32 @!p1 $0x0  }
0x14: {  	s2 =	sld [smem:$0x3F8F];
	s0 =	simm.s32 @p1 $0x1  }
0x15: {  	[smem:$0x3FAC] =	sst s0;
	s0 =	simm.s32 @!p2 $0x0  }
0x16: {  	s3 =	sld [smem:$0x3FDB];
	s0 =	simm.s32 @p2 $0x1  }
0x17: {  	s4 =	simm.s32 $0x1BF5;
	[smem:$0x3FAE] =	sst s0  }
0x18: {  	s0 =	sld [smem:$0x3F91];
	_ =	swait.ge [sflag:s4], $0x0  }
0x19: {  	s7 =	sld [smem:$0x3F92]  }
0x1a: {  	s8 =	sadd.s32 $0xFFFFE003, lr  }
0x1b: {  	s9 =	sadd.s32 $0xFFFFFEF7, lr;
	s5 =	simm.s32 $0xFFFFFFFF;
	p2 =	slt.u32 s8, $0xFFFFF086  }
0x1c: {  	p1 =	slt.u32 s9, $0xF7A;
	s5 =	simm.s32 @!p2 $0x0  }
0x1d: {  	s5 =	simm.s32 @p1 $0x1;
	p0 =	seq.s32 s7, s2  }
0x1e: {  	s7 =	smul.u32 @!p0 $0xF7A, s2;
	p2 =	seq.s32 @!p0 s5, $0x0  }
0x1f: {  	s9 =	smul.u32 $0xF7A, s1;
	s8 =	simm.s32 @!p0 $0x1BF5;
	p2 =	por !p2, p0  }
0x20: {  	[sflag:s8] =	ssyncset.s32 @!p0 $0xFFFFF086;
	s6 =	sadd.s32 @!p0 s3, s7;
	s7 =	simm.s32 @!p0 $0x108  }
0x21: {  	s3 =	sadd.s32 s3, s9;
	s6 =	sadd.s32 @!p0 $0x88, s6;
	s7 =	simm.s32 @p2 $0x1082  }
0x22: {  	[simem:s7], [sflag:s8] =	dma.local @!p0 [hbm:s6], $0xF7A  }
0x23: {  	s9 =	sor.u32 $0xD0000000, s2;
	s6 =	simm.s32 $0x108;
	_ =	swait.ge @!p0 [sflag:s8], $0x0  }
0x24: {  	s3 =	sadd.s32 $0x88, s3;
	s6 =	simm.s32 @!p1 $0x1082;
	[sflag:s4] =	ssyncset.s32 $0xFFFFF086  }
0x25: {  	[simem:s6], [sflag:s4] =	dma.local [hbm:s3], $0xF7A  }
0x26: {  	[smem:$0x3F92] =	sst s1;
	(tag) =	ssettag s2;
	_ =	strace s9  }
0x27: {  	s1 =	sld [smem:$0x3FA2]  }
0x28: {  	s2 =	sld [smem:$0x3FA3]  }
0x29: {  	s4 =	sld [smem:$0x3FA5]  }
0x2a: {  	p0 =	seq.s32 s5, $0x0;
	s5 =	sld [smem:$0x3FA6]  }
0x2b: {  	s6 =	sld [smem:$0x3FA7]  }
0x2c: {  	s7 =	sld [smem:$0x3FA8]  }
0x2d: {  	s3 =	simm.s32 $0x108;
	s8 =	sld [smem:$0x3FA9]  }
0x2e: {  	s3 =	simm.s32 @!p0 $0x1082;
	s9 =	sld [smem:$0x3FAA]  }
0x2f: {  	lr =	sadd.s32 s0, s3;
	s0 =	sld [smem:$0x3FA1]  }
0x30: {  	s3 =	sld [smem:$0x3FA4]  }
0x31: {  	[smem:$0x3FAD] =	sst s10  }
0x32: {  	s10 =	sld [smem:$0x3FAB];
	_ =	sdelay $0x3  }
0x33: {  	p0 =	seq.s32 s10, $0x1;
	s10 =	sld [smem:$0x3FAD];
	_ =	sdelay $0x3  }
0x34: {  	[smem:$0x3FAD] =	sst s10  }
0x35: {  	s10 =	sld [smem:$0x3FAC];
	_ =	sdelay $0x3  }
0x36: {  	p1 =	seq.s32 s10, $0x1;
	s10 =	sld [smem:$0x3FAD];
	_ =	sdelay $0x3  }
0x37: {  	[smem:$0x3FAD] =	sst s10  }
0x38: {  	s10 =	sld [smem:$0x3FAE]  }
0x39: {  	_ = 	snop;
	(pc) =	sbr.ind lr, $3  }
0x3a: {  	_ = 	snop  }
0x3b: {  	_ = 	snop  }
0x3c: {  	p2 =	seq.s32 s10, $0x1;
	s10 =	sld [smem:$0x3FAD]  }
0x3d: {  	_ =	shalt  }
0x3e: {  	_ =	shalt  }
0x3f: {  	_ =	shalt  }
0x40: {  	_ =	shalt  }
0x41: {  	_ =	shalt  }
0x42: {  	_ =	shalt  }
0x43: {  	_ =	shalt  }
0x44: {  	_ =	shalt  }
0x45: {  	_ =	shalt  }
0x46: {  	_ =	shalt  }
0x47: {  	_ =	shalt  }
0x48: {  	_ =	shalt  }
0x49: {  	_ =	shalt  }
0x4a: {  	_ =	shalt  }
0x4b: {  	_ =	shalt  }
0x4c: {  	_ =	shalt  }
0x4d: {  	_ =	shalt  }
0x4e: {  	_ =	shalt  }
0x4f: {  	_ =	shalt  }
0x50: {  	_ =	shalt  }
0x51: {  	_ =	shalt  }
0x52: {  	_ =	shalt  }
0x53: {  	_ =	shalt  }
0x54: {  	_ =	shalt  }
0x55: {  	_ =	shalt  }
0x56: {  	_ =	shalt  }
0x57: {  	_ =	shalt  }
0x58: {  	_ =	shalt  }
0x59: {  	_ =	shalt  }
0x5a: {  	_ =	shalt  }
0x5b: {  	_ =	shalt  }
0x5c: {  	_ =	shalt  }
0x5d: {  	_ =	shalt  }
0x5e: {  	_ =	shalt  }
0x5f: {  	_ =	shalt  }
0x60: {  	_ =	shalt  }
0x61: {  	_ =	shalt  }
0x62: {  	_ =	shalt  }
0x63: {  	_ =	shalt  }
0x64: {  	_ =	shalt  }
0x65: {  	_ =	shalt  }
0x66: {  	_ =	shalt  }
0x67: {  	_ =	shalt  }
0x68: {  	_ =	shalt  }
0x69: {  	_ =	shalt  }
0x6a: {  	_ =	shalt  }
0x6b: {  	_ =	shalt  }
0x6c: {  	_ =	shalt  }
0x6d: {  	_ =	shalt  }
0x6e: {  	_ =	shalt  }
0x6f: {  	_ =	shalt  }
0x70: {  	_ =	shalt  }
0x71: {  	_ =	shalt  }
0x72: {  	_ =	shalt  }
0x73: {  	_ =	shalt  }
0x74: {  	_ =	shalt  }
0x75: {  	_ =	shalt  }
0x76: {  	_ =	shalt  }
0x77: {  	_ =	shalt  }
0x78: {  	_ =	shalt  }
0x79: {  	_ =	shalt  }
0x7a: {  	_ =	shalt  }
0x7b: {  	_ =	shalt  }
0x7c: {  	_ =	shalt  }
0x7d: {  	_ =	shalt  }
0x7e: {  	_ =	shalt  }
0x7f: {  	_ =	shalt  }
0x80: {  	_ =	shalt  }
0x81: {  	_ =	shalt  }
0x82: {  	_ =	shalt  }
0x83: {  	_ =	shalt  }
0x84: {  	_ =	shalt  }
0x85: {  	_ =	shalt  }
0x86: {  	_ =	shalt  }
0x87: {  	_ =	shalt  }
.Lfunc_end0:
.L_simem_size_0:
called_computation.3_lowered:
.L_overlay_start_0:
0x88: {  	s2 =	sld [smem:$0x3FD9]  }
0x89: {  	s3 =	sld [smem:$0x3FFE];
	_ =	sdelay $0x1  }
0x8a: {  	s1 =	srdreg.scid  }
0x8b: {  	s0 =	sand.u32 $0x1, s1  }
0x8c: {  	s16 =	sshll.u32 s0, $0xA;
	s2 =	sadd.s32 s3, s2  }
0x8d: {  	s2 =	sadd.s32 s2, s16  }
0x8e: {  	[smem:$0x3FB9] =	sst s2  }
0x8f: {  	_ = 	snop  }
0x90: {  	(tm) =	ssettm $0x1  }
0x91: {  	s17 =	sld [smem:$0x3FFB];
	_ =	sdelay $0x3  }
0x92: {  	_ =	strace s17  }
0x93: {  	s2 =	sld [smem:$0x3FFC];
	_ =	sdelay $0x3  }
0x94: {  	_ =	strace s2  }
0x95: {  	s2 =	sld [smem:$0x3FFD];
	_ =	sdelay $0x3  }
0x96: {  	_ =	strace s2  }
0x97: {  	_ =	strace $0x8FFFFFFF  }
0x98: {  	s18 =	sld [smem:$0x3FDB];
	_ =	sdelay $0x1  }
0x99: {  	s19 =	simm.s32 $_scs_section_size  }
0x9a: {  	s4 =	simm.s32 $_size__tile_overlayer_lowered;
	s5 =	simm.s32 $_tile_overlayer_lowered  }
0x9b: {  	s22 =	simm.s32 $0x1BFF;
	s21 =	sshll.u32 s5, $0x1;
	s2 =	sadd.s32 s19, s18  }
0x9c: {  	s6 =	simm.s32 $0x0;
	s20 =	sshll.u32 s4, $0x1;
	s4 =	sadd.s32 s21, s2  }
0x9d: {  	[timem:s6], [sflag:s22] =	dma.local [hbm:s4], s20  }
0x9e: {  	_ =	swait.ge [sflag:s22], s20  }
0x9f: {  	s3 =	ssub.s32 $0x0, s20;
	[sflag:s22] =	ssyncset.done $0x0  }
0xa0: {  	[sflag:s22] =	ssyncadd.s32 s3;
	_ =	sdelay $0x1  }
0xa1: {  	s23 =	simm.s32 $0x1B8B  }
0xa2: {  	_ =	swait.ge [sflag:s23], $0x1  }
0xa3: {  	[sflag:s23] =	ssyncset.done $0x0  }
0xa4: {  	s25 =	simm.s32 $0x1B8E;
	s24 =	sld [smem:$0x3FFE];
	[sflag:s23] =	ssyncadd.s32 $0xFFFFFFFF  }
0xa5: {  	s26 =	simm.s32 $execute0_lowered;
	[smem:$0x3FD2] =	sst s25  }
0xa6: {  	s4 =	sshll.u32 s26, $0x1;
	_ =	strace $0x8000004F;
	[dreg:$0x1] =	wrdreg $0xFFFFFFFF  }
0xa7: {  	s28 =	simm.s32 $_size_execute0_lowered;
	s2 =	sadd.s32 s2, s4;
	[dreg:$0x0] =	wrdreg $0x0  }
0xa8: {  	s4 =	sshll.u32 s28, $0x1;
	[dreg:$0x2] =	wrdreg s2  }
0xa9: {  	[dreg:$0x3] =	wrdreg s4  }
0xaa: {  	[dreg:$0x4] =	wrdreg $0xC0  }
0xab: {  	_ =	task [dreg:s6], $0x5FFFF  }
0xac: {  	[dreg:$0x1] =	wrdreg $0xFFFFFFFF  }
0xad: {  	[dreg:$0x0] =	wrdreg $0x60  }
0xae: {  	[dreg:$0x2] =	wrdreg s24  }
0xaf: {  	[dreg:$0x3] =	wrdreg $0x90000  }
0xb0: {  	[dreg:$0x4] =	wrdreg $0x9  }
0xb1: {  	_ =	task.clear_ibuf [dreg:s6], $0x5FFFF;
	_ =	strace $0x9000004F  }
0xb2: {  	s29 =	simm.s32 $0x9;
	_ =	strace $0x80000051  }
0xb3: {  	_ =	swait.ge [sflag:s29], $0x1  }
0xb4: {  	[sflag:s29] =	ssyncadd.s32 $0xFFFFFFFF  }
0xb5: {  	_ =	strace $0x90000051  }
0xb6: {  	_ =	sfence  }
0xb7: {  	s30 =	sld [smem:$0x0];
	_ =	sdelay $0x2  }
0xb8: {  	s31 =	sshll.u32 s1, $0xD;
	s1 =	sshrl.u32 s1, $0x2  }
0xb9: {  	s3 =	sand.u32 $0x4000, s31;
	s1 =	sadd.s32 s1, s30  }
0xba: {  	s0 =	sor.u32 s3, s0;
	s1 =	sshll.u32 s1, $0x11  }
0xbb: {  	s0 =	sor.u32 s1, s0  }
0xbc: {  	s0 =	sadd.s32 $0x8F2B, s0  }
0xbd: {  	[sflag:s0] =	ssyncadd.remote.s32 $0x1  }
0xbe: {  	_ =	sfence.sel $0xFFFF  }
0xbf: {  	[dreg:$0x0] =	wrdreg $0xFFFFFFFF;
	(pc) =	sbr.abs _section_cstart, $3  }
0xc0: {  	[dreg:$0x1] =	wrdreg $0xFFFFFFFF  }
0xc1: {  	_ =	task.clear_ibuf [dreg:s6], $0x2FFFF;
	_ =	strace $0x9FFFFFFF  }
0xc2: {  	(tm) =	ssettm $0x7FFFFFFF  }
0xc3: {  	_ =	shalt  }
tec
execute0_lowered:
.L_overlay_start_1:
0x0: {  	(tag) =	ssettag $0x1  }
0x1: {  	s0 =	srdreg.scid;
	s6 =	rddreg [dreg:$0x0]  }
0x2: {  	s2 =	rddreg [dreg:$0x1];
	s3 =	simm.s32 $0x0;
	s14 =	simm.s32 $0x80  }
0x3: {  	s15 =	simm.s32 $0x5000;
	s5 =	sand.u32 $0x1, s0;
	s0 =	stileid.u32  }
0x4: {  	s16 =	simm.s32 $0x1;
	s17 =	simm.s32 $0x0;
	s8 =	smul.u32 $0x13C00, s0  }
0x5: {  	[smem:$0x7FF] =	sst s3;
	s1 =	sshll.u32 s5, $0x4;
	s9 =	smul.u32 $0x13C000, s5  }
0x6: {  	s5 =	ssub.s32 $0x2, s5;
	s31 =	smul.u32 $0x4F000, s0;
	s12 =	sshll.u32 s0, $0x6  }
0x7: {  	s4 =	sor.u32 s0, s1;
	s1 =	rddreg [dreg:$0x2];
	_ =	strace $0x80000050  }
0x8: {  	s11 =	sshrl.u32 s5, $0x1;
	s12 =	sor.u32 $0x1C02, s12;
	s7 =	smul.u32 $0x500, s4  }
0x9: {  	s4 =	sadd.s32 $0x35000, s6;
	s10 =	sshrl.u32 s8, $0x3;
	s8 =	sadd.s32 s8, s9  }
0xa: {  	s11 =	ssub.s32 s5, s11;
	s9 =	sshrl.u32 s31, $0x2;
	s10 =	sadd.s32 s10, s6  }
0xb: {  	s8 =	sshrl.u32 s8, $0x3;
	s13 =	sadd.s32 s9, s2;
	s9 =	smax.u32 s11, $0x1  }
0xc: {  	s11 =	simm.s32 $0x2800;
	s7 =	sadd.s32 s7, s6;
	s8 =	sadd.s32 s8, s6  }
0xd: {  	s13 =	sshrl.u32 s13, $0x3;
	s5 =	sadd.s32 $0x84800, s7;
	s6 =	sadd.s32 $0x3800, s7  }
0xe: {  	s7 =	sadd.s32 $0xD800, s10;
	s8 =	sadd.s32 $0x8E800, s8;
	s10 =	simm.s32 $0x2  }
.LBB2_1:
0xf: {  	[tilespmem:s3], [sflag:$0x2] =	stream.linear.gather [hbm4b:s5+s3], $0x2800, $0x38;
	[tilespmem:$0x1CC00] =	vst v63  }
0x10: {  	_ =	swait.ge [sflag:s10], $0x2800  }
0x11: {  	[sflag:s10] =	ssyncset.done $0x0  }
0x12: {  	[sflag:s10] =	ssyncadd.s32 $0xFFFFD800  }
0x13: {  	[tilespmem:s11], [sflag:$0x2] =	stream.linear.gather [hbm4b:s6+s3], $0x2800, $0x38;
	[tilespmem:$0x1CC00] =	vst v63  }
0x14: {  	_ =	swait.ge [sflag:s10], $0x2800  }
0x15: {  	[sflag:s10] =	ssyncset.done $0x0  }
0x16: {  	[sflag:s10] =	ssyncadd.s32 $0xFFFFD800  }
0x17: {  	[spmem:s13], [sflag:s12] =	dma.local [hbm:s7], $0x2780  }
0x18: {  	_ =	swait.ge [sflag:s10], $0x2780  }
0x19: {  	[sflag:s10] =	ssyncset.done $0x0  }
0x1a: {  	[sflag:s10] =	ssyncadd.s32 $0xFFFFD880  }
0x1b: {  	s18 =	simm.s32 $0x0;
	[bflag:$0x0] =	sbarrier.arrive $0xFFFF  }
0x1c: {  	[tilespmem:s15], [sflag:$0x1] =	stream.indirect.gather [hbm4b:s4+s14], $0x80, s18, s14, $0xb8;
	[tilespmem:$0x1CC00] =	vst v63  }
0x1d: {  	_ =	swait.ge [sflag:s16], $0x4000  }
0x1e: {  	[sflag:s16] =	ssyncset.done $0x0  }
0x1f: {  	s31 =	simm.s32 $0x2800;
	[sflag:s16] =	ssyncadd.s32 $0xFFFFC000  }
0x20: {  	[spmem:s2] =	stream.indirect.scatter.add.f32 [tilespmem:s15], [sflag:$0x2], $0x80, s31, s14, $0xb8;
	[tilespmem:$0x1CC00] =	vst v63  }
0x21: {  	_ =	swait.ge [sflag:s10], $0x4000  }
0x22: {  	s19 =	simm.s32 $0x400;
	s18 =	simm.s32 $0x200;
	[sflag:s10] =	ssyncset.done $0x0  }
.LBB2_2:
0x23: {  	s20 =	sshra.s32 s18, $0x2  }
0x24: {  	[sflag:s10] =	ssyncadd.s32 $0xFFFFC000;
	s18 =	smov.u32 s19;
	s21 =	sadd.s32 $0x200, s19  }
0x25: {  	[tilespmem:s15], [sflag:$0x1] =	stream.indirect.gather [hbm4b:s4+s14], $0x80, s20, s14, $0xb8;
	[tilespmem:$0x1CC00] =	vst v63  }
0x26: {  	p0 =	sne.s32 s19, $0x9E00;
	_ =	swait.ge [sflag:s16], $0x4000  }
.Ltmp0:
0x27: {  	[sflag:s16] =	ssyncset.done $0x0;
	(pc) =	sbr.rel @p0 .LBB2_2-.Ltmp0, $4  }
0x28: {  	s19 =	sadd.s32 $0x2800, s20;
	[sflag:s16] =	ssyncadd.s32 $0xFFFFC000  }
0x29: {  	[spmem:s2] =	stream.indirect.scatter.add.f32 [tilespmem:s15], [sflag:$0x2], $0x80, s19, s14, $0xb8;
	[tilespmem:$0x1CC00] =	vst v63  }
0x2a: {  	_ =	swait.ge [sflag:s10], $0x4000  }
0x2b: {  	s19 =	smov.u32 s21;
	[sflag:s10] =	ssyncset.done $0x0  }
0x2c: {  	s18 =	sshra.s32 s18, $0x2;
	[sflag:s10] =	ssyncadd.s32 $0xFFFFC000  }
0x2d: {  	[tilespmem:s15], [sflag:$0x1] =	stream.indirect.gather [hbm4b:s4+s14], $0x80, s18, s14, $0xb8;
	[tilespmem:$0x1CC00] =	vst v63  }
0x2e: {  	_ =	swait.ge [sflag:s16], $0x4000  }
0x2f: {  	[sflag:s16] =	ssyncset.done $0x0  }
0x30: {  	s18 =	sadd.s32 $0x2800, s18;
	[sflag:s16] =	ssyncadd.s32 $0xFFFFC000  }
0x31: {  	[spmem:s2] =	stream.indirect.scatter.add.f32 [tilespmem:s15], [sflag:$0x2], $0x80, s18, s14, $0xb8;
	[tilespmem:$0x1CC00] =	vst v63  }
0x32: {  	_ =	swait.ge [sflag:s10], $0x4000  }
0x33: {  	s17 =	sadd.s32 $0x1, s17;
	[sflag:s10] =	ssyncset.done $0x0  }
0x34: {  	p0 =	sne.s32 s17, s9;
	[sflag:s10] =	ssyncadd.s32 $0xFFFFC000  }
.Ltmp1:
0x35: {  	[bflag:$0x0] =	sbarrier.arrive $0xFFFF;
	(pc) =	sbr.rel @p0 .LBB2_1-.Ltmp1, $4  }
0x36: {  	[hbm:s8], [sflag:s12] =	dma.local [spmem:s13], $0x2780  }
0x37: {  	_ =	swait.ge [sflag:s10], $0x2780  }
0x38: {  	[sflag:s10] =	ssyncset.done $0x0  }
0x39: {  	[sflag:s10] =	ssyncadd.s32 $0xFFFFD880  }
0x3a: {  	_ =	sfence.sel $0x180000  }
0x3b: {  	[bflag:$0x0] =	sbarrier.arrive $0xFFFF  }
0x3c: {  	p0 =	sne.s32 s0, $0x0;
	_ =	strace $0x90000050  }
0x3d: {  	s0 =	sadd.s32 @!p0 $0x100000, s1;
	[bflag:$0x2] =	sbarrier.arrive $0xFFFF  }
0x3e: {  	[sflag:s0] =	ssyncadd.tile.s32 @!p0 $0x1;
	_ =	shalt  }
.Lfunc_end2:
_tile_overlayer_lowered:
.L_overlay_start_2:
0x3f: {  	(tag) =	ssettag $0x2  }
0x40: {  	s0 =	rddreg [dreg:$0x0];
	s2 =	stileid.u32  }
0x41: {  	s1 =	rddreg [dreg:$0x1];
	p0 =	sne.s32 s2, $0x0  }
0x42: {  	s3 =	rddreg [dreg:$0x2];
	[bflag:$0x3] =	sbarrier.arrive $0xFFFF;
	s2 =	simm.s32 @!p0 $0x1C02  }
0x43: {  	[timem:s3], [sflag:s2] =	dma.local @!p0 [hbm:s0], s1  }
0x44: {  	s0 =	simm.s32 @!p0 $0x2  }
0x45: {  	_ =	swait.ge @!p0 [sflag:s0], s1  }
0x46: {  	s1 =	ssub.s32 @!p0 $0x0, s1;
	[sflag:s0] =	ssyncset.done @!p0 $0x0  }
0x47: {  	[sflag:s0] =	ssyncadd.s32 @!p0 s1  }
0x48: {  	[bflag:$0x3] =	sbarrier.arrive $0xFFFF  }
0x49: {  	_ =	shalt  }

</sc_bundles>
